<compile_context>
chip_gen: v7x
topology: tpu7x:2x2x1
jax: 0.10.2.dev20260603
libtpu: 0.0.44.dev20260713+nightly
codegen_flags: <defaults>
</compile_context>

<pallas_src>
import functools

import jax
import jax.numpy as jnp
from jax import lax
from jax.experimental import pallas as pl
from jax.experimental.pallas import tpu as pltpu
from jax.experimental.pallas import tpu_sc as plsc

_ROWS = 256

_INFO = plsc.get_sparse_core_info()
_NC = _INFO.num_cores
_NS = _INFO.num_subcores
_NW = _NC * _NS

_CHUNK = 16
_S_SC = 1024


def _tc_body(batch, n_chunks, ring, w_hbm, o_hbm, *rest):
    bufs = rest[:ring]
    rsems = rest[ring:2 * ring]
    wsems = rest[2 * ring:3 * ring]

    def read(k):
        pltpu.make_async_copy(
            w_hbm.at[pl.ds(k * _ROWS, _ROWS), :], bufs[k % ring], rsems[k % ring]
        ).start()

    def write_start(k):
        for b in range(batch):
            pltpu.make_async_copy(
                bufs[k % ring], o_hbm.at[b, pl.ds(k * _ROWS, _ROWS), :],
                wsems[k % ring],
            ).start()

    def write_wait(k):
        for b in range(batch):
            pltpu.make_async_copy(
                bufs[k % ring], o_hbm.at[b, pl.ds(k * _ROWS, _ROWS), :],
                wsems[k % ring],
            ).wait()

    for k in range(min(ring, n_chunks)):
        read(k)
    for k in range(n_chunks):
        pltpu.make_async_copy(
            w_hbm.at[pl.ds(k * _ROWS, _ROWS), :], bufs[k % ring], rsems[k % ring]
        ).wait()
        write_start(k)
        p = k - 1
        if p >= 0 and p + ring < n_chunks:
            write_wait(p)
            read(p + ring)
    for p in range(max(0, n_chunks - ring - 1), n_chunks):
        if p + ring >= n_chunks:
            write_wait(p)


def _tc_call(W_pos, batch, s_tc, d):
    n_chunks = s_tc // _ROWS
    ring = n_chunks
    return pl.pallas_call(
        functools.partial(_tc_body, batch, n_chunks, ring),
        in_specs=[pl.BlockSpec(memory_space=pl.ANY)],
        out_specs=pl.BlockSpec(memory_space=pl.ANY),
        out_shape=jax.ShapeDtypeStruct((batch, s_tc, d), jnp.float32),
        scratch_shapes=(
            [pltpu.VMEM((_ROWS, d), jnp.float32)] * ring
            + [pltpu.SemaphoreType.DMA] * (2 * ring)
        ),
    )(W_pos)


def _sc_body(n_chunks, batch, base_row, w_hbm, out_hbm, buf0, buf1, sem0, sem1,
             wsem):
    wid = lax.axis_index("s") * _NC + lax.axis_index("c")
    base = base_row + wid * (n_chunks * _CHUNK)
    obase = wid * (n_chunks * _CHUNK)

    bufs = (buf0, buf1)
    in_sems = (sem0, sem1)

    def gather(k):
        pltpu.async_copy(
            w_hbm.at[pl.ds(base + k * _CHUNK, _CHUNK), :],
            bufs[k % 2], in_sems[k % 2],
        )

    gather(0)
    for k in range(n_chunks):
        slot = k % 2
        pltpu.make_async_copy(
            w_hbm.at[pl.ds(base + k * _CHUNK, _CHUNK), :],
            bufs[slot], in_sems[slot],
        ).wait()
        if k + 1 < n_chunks:
            gather(k + 1)
        r = obase + k * _CHUNK
        for b in range(batch):
            pltpu.async_copy(bufs[slot], out_hbm.at[b, pl.ds(r, _CHUNK), :], wsem)
        for b in range(batch):
            pltpu.make_async_copy(
                bufs[slot], out_hbm.at[b, pl.ds(r, _CHUNK), :], wsem
            ).wait()


def _sc_call(W_pos, batch, s_tc, s_sc, d):
    n_chunks = s_sc // (_NW * _CHUNK)
    mesh = plsc.VectorSubcoreMesh(core_axis_name="c", subcore_axis_name="s")
    k = functools.partial(
        pl.kernel,
        mesh=mesh,
        out_type=jax.ShapeDtypeStruct((batch, s_sc, d), jnp.float32),
        scratch_types=[
            pltpu.VMEM((_CHUNK, d), jnp.float32),
            pltpu.VMEM((_CHUNK, d), jnp.float32),
            pltpu.SemaphoreType.DMA,
            pltpu.SemaphoreType.DMA,
            pltpu.SemaphoreType.DMA,
        ],
    )(functools.partial(_sc_body, n_chunks, batch, s_tc))
    return k(W_pos)


def kernel(tokens, W_pos):
    B, S = tokens.shape
    D = W_pos.shape[1]
    s_tc = S - _S_SC
    tc_out = _tc_call(W_pos, B, s_tc, D)
    sc_out = _sc_call(W_pos, B, s_tc, _S_SC, D)
    return jnp.concatenate([tc_out, sc_out], axis=1)

# --- scband reference (transcript-rebuilt; emitter-appended) ---
"""Pipeline reference for scband-positional-embedding-14688788152619 (READ-ONLY COPY).

The authoritative reference and input builder live on the scoring server;
editing this copy changes nothing except your own understanding.
"""

import jax, jax.numpy as jnp
import numpy as np

N_CONTEXT = 8192
D_MODEL = 2048
BATCH = 4
SEQ = 4096

def setup_inputs(seed: int = 0) -> dict:
    key = jax.random.key(seed)
    k1, k2 = jax.random.split(key)
    tokens = jax.random.randint(k1, (BATCH, SEQ), 0, 50257, dtype=jnp.int64 if jax.config.jax_enable_x64 else jnp.int32)
    W_pos = jax.random.normal(k2, (N_CONTEXT, D_MODEL), dtype=jnp.float32) * 0.02
    return {"tokens": tokens, "W_pos": W_pos}

def reference(tokens, W_pos):
    # pos_embed = W_pos[:tokens.size(1), :]
    seq_len = tokens.shape[1]
    pos_embed = W_pos[:seq_len, :]
    # einops.repeat 'position d_model -> batch position d_model'
    batch = tokens.shape[0]
    pos_embed = jnp.broadcast_to(pos_embed[None, :, :], (batch, seq_len, pos_embed.shape[1]))
    return pos_embed

if __name__ == "__main__":
    import jax
    _d = setup_inputs()
    print(jax.jit(kernel)(*tuple(_d.values())))

</pallas_src>

<mosaic_0001>
#map = affine_map<(d0, d1) -> (0, 0)>
#map1 = affine_map<(d0, d1) -> (0, 0, 0)>
module attributes {stable_mosaic.version = 14 : i64} {
  func.func @_sc_body(%arg0: i32, %arg1: i32, %arg2: memref<8192x2048xf32, #tpu.memory_space<hbm>>, %arg3: memref<4x1024x2048xf32, #tpu.memory_space<hbm>>, %arg4: memref<16x2048xf32, #tpu.memory_space<vmem>>, %arg5: memref<16x2048xf32, #tpu.memory_space<vmem>>, %arg6: memref<!tpu.dma_semaphore, #tpu.memory_space<semaphore_mem>>, %arg7: memref<!tpu.dma_semaphore, #tpu.memory_space<semaphore_mem>>, %arg8: memref<!tpu.dma_semaphore, #tpu.memory_space<semaphore_mem>>) attributes {dimension_semantics = [#tpu.dimension_semantics<core_parallel>, #tpu.dimension_semantics<subcore_parallel>], iteration_bounds = array<i64: 2, 16>, scalar_prefetch = 0 : i64, scratch_operands = 5 : i64, tpu.core_type = #tpu.core_type<sc_vector_subcore>, window_params = [{transform_indices = #map}, {transform_indices = #map1}]} {
    %mul3A = arith.constant 2 : i32
    %mul3A_0 = arith.muli %arg1, %mul3A : i32
    %add3A = arith.addi %mul3A_0, %arg0 : i32
    %mul3A_1 = arith.constant 32 : i32
    %mul3A_2 = arith.muli %add3A, %mul3A_1 : i32
    %add3A_3 = arith.constant 3072 : i32
    %add3A_4 = arith.addi %add3A_3, %mul3A_2 : i32
    %mul3A_5 = arith.constant 32 : i32
    %mul3A_6 = arith.muli %add3A, %mul3A_5 : i32
    %add3A_7 = arith.constant 0 : i32
    %add3A_8 = arith.addi %add3A_4, %add3A_7 : i32
    %dma_start3A = arith.constant 0 : i32
    %dma_start3A_9 = tpu.memref_slice %arg2[%add3A_8, %dma_start3A] : memref<8192x2048xf32, #tpu.memory_space<hbm>> -> memref<16x2048xf32, #tpu.memory_space<hbm>>
    %dma_start3A_10 = arith.constant 0 : i32
    %dma_start3A_11 = tpu.memref_slice %arg2[%add3A_8, %dma_start3A_10] : memref<8192x2048xf32, #tpu.memory_space<hbm>> -> memref<16x2048xf32, #tpu.memory_space<hbm>>
    tpu.enqueue_dma source(%dma_start3A_11 : memref<16x2048xf32, #tpu.memory_space<hbm>>) target(%arg4 : memref<16x2048xf32, #tpu.memory_space<vmem>>) target_semaphore(%arg6 : memref<!tpu.dma_semaphore, #tpu.memory_space<semaphore_mem>>)
    %add3A_12 = arith.constant 0 : i32
    %add3A_13 = arith.addi %add3A_4, %add3A_12 : i32
    %dma_wait3A = arith.constant 0 : i32
    %dma_wait3A_14 = tpu.memref_slice %arg2[%add3A_13, %dma_wait3A] : memref<8192x2048xf32, #tpu.memory_space<hbm>> -> memref<16x2048xf32, #tpu.memory_space<hbm>>
    %dma_wait3A_15 = arith.constant 0 : i32
    %dma_wait3A_16 = tpu.memref_slice %arg2[%add3A_13, %dma_wait3A_15] : memref<8192x2048xf32, #tpu.memory_space<hbm>> -> memref<16x2048xf32, #tpu.memory_space<hbm>>
    tpu.wait_dma2 semaphore(%arg6 : memref<!tpu.dma_semaphore, #tpu.memory_space<semaphore_mem>>) src(%dma_wait3A_16 : memref<16x2048xf32, #tpu.memory_space<hbm>>) dst(%arg4 : memref<16x2048xf32, #tpu.memory_space<vmem>>)
    %add3A_17 = arith.constant 16 : i32
    %add3A_18 = arith.addi %add3A_4, %add3A_17 : i32
    %dma_start3A_19 = arith.constant 0 : i32
    %dma_start3A_20 = tpu.memref_slice %arg2[%add3A_18, %dma_start3A_19] : memref<8192x2048xf32, #tpu.memory_space<hbm>> -> memref<16x2048xf32, #tpu.memory_space<hbm>>
    %dma_start3A_21 = arith.constant 0 : i32
    %dma_start3A_22 = tpu.memref_slice %arg2[%add3A_18, %dma_start3A_21] : memref<8192x2048xf32, #tpu.memory_space<hbm>> -> memref<16x2048xf32, #tpu.memory_space<hbm>>
    tpu.enqueue_dma source(%dma_start3A_22 : memref<16x2048xf32, #tpu.memory_space<hbm>>) target(%arg5 : memref<16x2048xf32, #tpu.memory_space<vmem>>) target_semaphore(%arg7 : memref<!tpu.dma_semaphore, #tpu.memory_space<semaphore_mem>>)
    %add3A_23 = arith.constant 0 : i32
    %add3A_24 = arith.addi %mul3A_6, %add3A_23 : i32
    %dma_start3A_25 = arith.constant 0 : i32
    %dma_start3A_26 = arith.constant 0 : i32
    %dma_start3A_27 = tpu.memref_slice %arg3[%dma_start3A_25, %add3A_24, %dma_start3A_26] : memref<4x1024x2048xf32, #tpu.memory_space<hbm>> -> memref<1x16x2048xf32, #tpu.memory_space<hbm>>
    %dma_start3A_28 = tpu.memref_squeeze %dma_start3A_27 : memref<1x16x2048xf32, #tpu.memory_space<hbm>> -> memref<16x2048xf32, #tpu.memory_space<hbm>>
    %dma_start3A_29 = arith.constant 0 : i32
    %dma_start3A_30 = tpu.memref_slice %arg3[%dma_start3A_25, %add3A_24, %dma_start3A_29] : memref<4x1024x2048xf32, #tpu.memory_space<hbm>> -> memref<1x16x2048xf32, #tpu.memory_space<hbm>>
    %dma_start3A_31 = tpu.memref_squeeze %dma_start3A_30 : memref<1x16x2048xf32, #tpu.memory_space<hbm>> -> memref<16x2048xf32, #tpu.memory_space<hbm>>
    tpu.enqueue_dma source(%arg4 : memref<16x2048xf32, #tpu.memory_space<vmem>>) target(%dma_start3A_31 : memref<16x2048xf32, #tpu.memory_space<hbm>>) target_semaphore(%arg8 : memref<!tpu.dma_semaphore, #tpu.memory_space<semaphore_mem>>)
    %dma_start3A_32 = arith.constant 1 : i32
    %dma_start3A_33 = arith.constant 0 : i32
    %dma_start3A_34 = tpu.memref_slice %arg3[%dma_start3A_32, %add3A_24, %dma_start3A_33] : memref<4x1024x2048xf32, #tpu.memory_space<hbm>> -> memref<1x16x2048xf32, #tpu.memory_space<hbm>>
    %dma_start3A_35 = tpu.memref_squeeze %dma_start3A_34 : memref<1x16x2048xf32, #tpu.memory_space<hbm>> -> memref<16x2048xf32, #tpu.memory_space<hbm>>
    %dma_start3A_36 = arith.constant 0 : i32
    %dma_start3A_37 = tpu.memref_slice %arg3[%dma_start3A_32, %add3A_24, %dma_start3A_36] : memref<4x1024x2048xf32, #tpu.memory_space<hbm>> -> memref<1x16x2048xf32, #tpu.memory_space<hbm>>
    %dma_start3A_38 = tpu.memref_squeeze %dma_start3A_37 : memref<1x16x2048xf32, #tpu.memory_space<hbm>> -> memref<16x2048xf32, #tpu.memory_space<hbm>>
    tpu.enqueue_dma source(%arg4 : memref<16x2048xf32, #tpu.memory_space<vmem>>) target(%dma_start3A_38 : memref<16x2048xf32, #tpu.memory_space<hbm>>) target_semaphore(%arg8 : memref<!tpu.dma_semaphore, #tpu.memory_space<semaphore_mem>>)
    %dma_start3A_39 = arith.constant 2 : i32
    %dma_start3A_40 = arith.constant 0 : i32
    %dma_start3A_41 = tpu.memref_slice %arg3[%dma_start3A_39, %add3A_24, %dma_start3A_40] : memref<4x1024x2048xf32, #tpu.memory_space<hbm>> -> memref<1x16x2048xf32, #tpu.memory_space<hbm>>
    %dma_start3A_42 = tpu.memref_squeeze %dma_start3A_41 : memref<1x16x2048xf32, #tpu.memory_space<hbm>> -> memref<16x2048xf32, #tpu.memory_space<hbm>>
    %dma_start3A_43 = arith.constant 0 : i32
    %dma_start3A_44 = tpu.memref_slice %arg3[%dma_start3A_39, %add3A_24, %dma_start3A_43] : memref<4x1024x2048xf32, #tpu.memory_space<hbm>> -> memref<1x16x2048xf32, #tpu.memory_space<hbm>>
    %dma_start3A_45 = tpu.memref_squeeze %dma_start3A_44 : memref<1x16x2048xf32, #tpu.memory_space<hbm>> -> memref<16x2048xf32, #tpu.memory_space<hbm>>
    tpu.enqueue_dma source(%arg4 : memref<16x2048xf32, #tpu.memory_space<vmem>>) target(%dma_start3A_45 : memref<16x2048xf32, #tpu.memory_space<hbm>>) target_semaphore(%arg8 : memref<!tpu.dma_semaphore, #tpu.memory_space<semaphore_mem>>)
    %dma_start3A_46 = arith.constant 3 : i32
    %dma_start3A_47 = arith.constant 0 : i32
    %dma_start3A_48 = tpu.memref_slice %arg3[%dma_start3A_46, %add3A_24, %dma_start3A_47] : memref<4x1024x2048xf32, #tpu.memory_space<hbm>> -> memref<1x16x2048xf32, #tpu.memory_space<hbm>>
    %dma_start3A_49 = tpu.memref_squeeze %dma_start3A_48 : memref<1x16x2048xf32, #tpu.memory_space<hbm>> -> memref<16x2048xf32, #tpu.memory_space<hbm>>
    %dma_start3A_50 = arith.constant 0 : i32
    %dma_start3A_51 = tpu.memref_slice %arg3[%dma_start3A_46, %add3A_24, %dma_start3A_50] : memref<4x1024x2048xf32, #tpu.memory_space<hbm>> -> memref<1x16x2048xf32, #tpu.memory_space<hbm>>
    %dma_start3A_52 = tpu.memref_squeeze %dma_start3A_51 : memref<1x16x2048xf32, #tpu.memory_space<hbm>> -> memref<16x2048xf32, #tpu.memory_space<hbm>>
    tpu.enqueue_dma source(%arg4 : memref<16x2048xf32, #tpu.memory_space<vmem>>) target(%dma_start3A_52 : memref<16x2048xf32, #tpu.memory_space<hbm>>) target_semaphore(%arg8 : memref<!tpu.dma_semaphore, #tpu.memory_space<semaphore_mem>>)
    %dma_wait3A_53 = arith.constant 0 : i32
    %dma_wait3A_54 = arith.constant 0 : i32
    %dma_wait3A_55 = tpu.memref_slice %arg3[%dma_wait3A_53, %add3A_24, %dma_wait3A_54] : memref<4x1024x2048xf32, #tpu.memory_space<hbm>> -> memref<1x16x2048xf32, #tpu.memory_space<hbm>>
    %dma_wait3A_56 = tpu.memref_squeeze %dma_wait3A_55 : memref<1x16x2048xf32, #tpu.memory_space<hbm>> -> memref<16x2048xf32, #tpu.memory_space<hbm>>
    %dma_wait3A_57 = arith.constant 0 : i32
    %dma_wait3A_58 = tpu.memref_slice %arg3[%dma_wait3A_53, %add3A_24, %dma_wait3A_57] : memref<4x1024x2048xf32, #tpu.memory_space<hbm>> -> memref<1x16x2048xf32, #tpu.memory_space<hbm>>
    %dma_wait3A_59 = tpu.memref_squeeze %dma_wait3A_58 : memref<1x16x2048xf32, #tpu.memory_space<hbm>> -> memref<16x2048xf32, #tpu.memory_space<hbm>>
    tpu.wait_dma2 semaphore(%arg8 : memref<!tpu.dma_semaphore, #tpu.memory_space<semaphore_mem>>) src(%arg4 : memref<16x2048xf32, #tpu.memory_space<vmem>>) dst(%dma_wait3A_59 : memref<16x2048xf32, #tpu.memory_space<hbm>>)
    %dma_wait3A_60 = arith.constant 1 : i32
    %dma_wait3A_61 = arith.constant 0 : i32
    %dma_wait3A_62 = tpu.memref_slice %arg3[%dma_wait3A_60, %add3A_24, %dma_wait3A_61] : memref<4x1024x2048xf32, #tpu.memory_space<hbm>> -> memref<1x16x2048xf32, #tpu.memory_space<hbm>>
    %dma_wait3A_63 = tpu.memref_squeeze %dma_wait3A_62 : memref<1x16x2048xf32, #tpu.memory_space<hbm>> -> memref<16x2048xf32, #tpu.memory_space<hbm>>
    %dma_wait3A_64 = arith.constant 0 : i32
    %dma_wait3A_65 = tpu.memref_slice %arg3[%dma_wait3A_60, %add3A_24, %dma_wait3A_64] : memref<4x1024x2048xf32, #tpu.memory_space<hbm>> -> memref<1x16x2048xf32, #tpu.memory_space<hbm>>
    %dma_wait3A_66 = tpu.memref_squeeze %dma_wait3A_65 : memref<1x16x2048xf32, #tpu.memory_space<hbm>> -> memref<16x2048xf32, #tpu.memory_space<hbm>>
    tpu.wait_dma2 semaphore(%arg8 : memref<!tpu.dma_semaphore, #tpu.memory_space<semaphore_mem>>) src(%arg4 : memref<16x2048xf32, #tpu.memory_space<vmem>>) dst(%dma_wait3A_66 : memref<16x2048xf32, #tpu.memory_space<hbm>>)
    %dma_wait3A_67 = arith.constant 2 : i32
    %dma_wait3A_68 = arith.constant 0 : i32
    %dma_wait3A_69 = tpu.memref_slice %arg3[%dma_wait3A_67, %add3A_24, %dma_wait3A_68] : memref<4x1024x2048xf32, #tpu.memory_space<hbm>> -> memref<1x16x2048xf32, #tpu.memory_space<hbm>>
    %dma_wait3A_70 = tpu.memref_squeeze %dma_wait3A_69 : memref<1x16x2048xf32, #tpu.memory_space<hbm>> -> memref<16x2048xf32, #tpu.memory_space<hbm>>
    %dma_wait3A_71 = arith.constant 0 : i32
    %dma_wait3A_72 = tpu.memref_slice %arg3[%dma_wait3A_67, %add3A_24, %dma_wait3A_71] : memref<4x1024x2048xf32, #tpu.memory_space<hbm>> -> memref<1x16x2048xf32, #tpu.memory_space<hbm>>
    %dma_wait3A_73 = tpu.memref_squeeze %dma_wait3A_72 : memref<1x16x2048xf32, #tpu.memory_space<hbm>> -> memref<16x2048xf32, #tpu.memory_space<hbm>>
    tpu.wait_dma2 semaphore(%arg8 : memref<!tpu.dma_semaphore, #tpu.memory_space<semaphore_mem>>) src(%arg4 : memref<16x2048xf32, #tpu.memory_space<vmem>>) dst(%dma_wait3A_73 : memref<16x2048xf32, #tpu.memory_space<hbm>>)
    %dma_wait3A_74 = arith.constant 3 : i32
    %dma_wait3A_75 = arith.constant 0 : i32
    %dma_wait3A_76 = tpu.memref_slice %arg3[%dma_wait3A_74, %add3A_24, %dma_wait3A_75] : memref<4x1024x2048xf32, #tpu.memory_space<hbm>> -> memref<1x16x2048xf32, #tpu.memory_space<hbm>>
    %dma_wait3A_77 = tpu.memref_squeeze %dma_wait3A_76 : memref<1x16x2048xf32, #tpu.memory_space<hbm>> -> memref<16x2048xf32, #tpu.memory_space<hbm>>
    %dma_wait3A_78 = arith.constant 0 : i32
    %dma_wait3A_79 = tpu.memref_slice %arg3[%dma_wait3A_74, %add3A_24, %dma_wait3A_78] : memref<4x1024x2048xf32, #tpu.memory_space<hbm>> -> memref<1x16x2048xf32, #tpu.memory_space<hbm>>
    %dma_wait3A_80 = tpu.memref_squeeze %dma_wait3A_79 : memref<1x16x2048xf32, #tpu.memory_space<hbm>> -> memref<16x2048xf32, #tpu.memory_space<hbm>>
    tpu.wait_dma2 semaphore(%arg8 : memref<!tpu.dma_semaphore, #tpu.memory_space<semaphore_mem>>) src(%arg4 : memref<16x2048xf32, #tpu.memory_space<vmem>>) dst(%dma_wait3A_80 : memref<16x2048xf32, #tpu.memory_space<hbm>>)
    %add3A_81 = arith.constant 16 : i32
    %add3A_82 = arith.addi %add3A_4, %add3A_81 : i32
    %dma_wait3A_83 = arith.constant 0 : i32
    %dma_wait3A_84 = tpu.memref_slice %arg2[%add3A_82, %dma_wait3A_83] : memref<8192x2048xf32, #tpu.memory_space<hbm>> -> memref<16x2048xf32, #tpu.memory_space<hbm>>
    %dma_wait3A_85 = arith.constant 0 : i32
    %dma_wait3A_86 = tpu.memref_slice %arg2[%add3A_82, %dma_wait3A_85] : memref<8192x2048xf32, #tpu.memory_space<hbm>> -> memref<16x2048xf32, #tpu.memory_space<hbm>>
    tpu.wait_dma2 semaphore(%arg7 : memref<!tpu.dma_semaphore, #tpu.memory_space<semaphore_mem>>) src(%dma_wait3A_86 : memref<16x2048xf32, #tpu.memory_space<hbm>>) dst(%arg5 : memref<16x2048xf32, #tpu.memory_space<vmem>>)
    %add3A_87 = arith.constant 16 : i32
    %add3A_88 = arith.addi %mul3A_6, %add3A_87 : i32
    %dma_start3A_89 = arith.constant 0 : i32
    %dma_start3A_90 = arith.constant 0 : i32
    %dma_start3A_91 = tpu.memref_slice %arg3[%dma_start3A_89, %add3A_88, %dma_start3A_90] : memref<4x1024x2048xf32, #tpu.memory_space<hbm>> -> memref<1x16x2048xf32, #tpu.memory_space<hbm>>
    %dma_start3A_92 = tpu.memref_squeeze %dma_start3A_91 : memref<1x16x2048xf32, #tpu.memory_space<hbm>> -> memref<16x2048xf32, #tpu.memory_space<hbm>>
    %dma_start3A_93 = arith.constant 0 : i32
    %dma_start3A_94 = tpu.memref_slice %arg3[%dma_start3A_89, %add3A_88, %dma_start3A_93] : memref<4x1024x2048xf32, #tpu.memory_space<hbm>> -> memref<1x16x2048xf32, #tpu.memory_space<hbm>>
    %dma_start3A_95 = tpu.memref_squeeze %dma_start3A_94 : memref<1x16x2048xf32, #tpu.memory_space<hbm>> -> memref<16x2048xf32, #tpu.memory_space<hbm>>
    tpu.enqueue_dma source(%arg5 : memref<16x2048xf32, #tpu.memory_space<vmem>>) target(%dma_start3A_95 : memref<16x2048xf32, #tpu.memory_space<hbm>>) target_semaphore(%arg8 : memref<!tpu.dma_semaphore, #tpu.memory_space<semaphore_mem>>)
    %dma_start3A_96 = arith.constant 1 : i32
    %dma_start3A_97 = arith.constant 0 : i32
    %dma_start3A_98 = tpu.memref_slice %arg3[%dma_start3A_96, %add3A_88, %dma_start3A_97] : memref<4x1024x2048xf32, #tpu.memory_space<hbm>> -> memref<1x16x2048xf32, #tpu.memory_space<hbm>>
    %dma_start3A_99 = tpu.memref_squeeze %dma_start3A_98 : memref<1x16x2048xf32, #tpu.memory_space<hbm>> -> memref<16x2048xf32, #tpu.memory_space<hbm>>
    %dma_start3A_100 = arith.constant 0 : i32
    %dma_start3A_101 = tpu.memref_slice %arg3[%dma_start3A_96, %add3A_88, %dma_start3A_100] : memref<4x1024x2048xf32, #tpu.memory_space<hbm>> -> memref<1x16x2048xf32, #tpu.memory_space<hbm>>
    %dma_start3A_102 = tpu.memref_squeeze %dma_start3A_101 : memref<1x16x2048xf32, #tpu.memory_space<hbm>> -> memref<16x2048xf32, #tpu.memory_space<hbm>>
    tpu.enqueue_dma source(%arg5 : memref<16x2048xf32, #tpu.memory_space<vmem>>) target(%dma_start3A_102 : memref<16x2048xf32, #tpu.memory_space<hbm>>) target_semaphore(%arg8 : memref<!tpu.dma_semaphore, #tpu.memory_space<semaphore_mem>>)
    %dma_start3A_103 = arith.constant 2 : i32
    %dma_start3A_104 = arith.constant 0 : i32
    %dma_start3A_105 = tpu.memref_slice %arg3[%dma_start3A_103, %add3A_88, %dma_start3A_104] : memref<4x1024x2048xf32, #tpu.memory_space<hbm>> -> memref<1x16x2048xf32, #tpu.memory_space<hbm>>
    %dma_start3A_106 = tpu.memref_squeeze %dma_start3A_105 : memref<1x16x2048xf32, #tpu.memory_space<hbm>> -> memref<16x2048xf32, #tpu.memory_space<hbm>>
    %dma_start3A_107 = arith.constant 0 : i32
    %dma_start3A_108 = tpu.memref_slice %arg3[%dma_start3A_103, %add3A_88, %dma_start3A_107] : memref<4x1024x2048xf32, #tpu.memory_space<hbm>> -> memref<1x16x2048xf32, #tpu.memory_space<hbm>>
    %dma_start3A_109 = tpu.memref_squeeze %dma_start3A_108 : memref<1x16x2048xf32, #tpu.memory_space<hbm>> -> memref<16x2048xf32, #tpu.memory_space<hbm>>
    tpu.enqueue_dma source(%arg5 : memref<16x2048xf32, #tpu.memory_space<vmem>>) target(%dma_start3A_109 : memref<16x2048xf32, #tpu.memory_space<hbm>>) target_semaphore(%arg8 : memref<!tpu.dma_semaphore, #tpu.memory_space<semaphore_mem>>)
    %dma_start3A_110 = arith.constant 3 : i32
    %dma_start3A_111 = arith.constant 0 : i32
    %dma_start3A_112 = tpu.memref_slice %arg3[%dma_start3A_110, %add3A_88, %dma_start3A_111] : memref<4x1024x2048xf32, #tpu.memory_space<hbm>> -> memref<1x16x2048xf32, #tpu.memory_space<hbm>>
    %dma_start3A_113 = tpu.memref_squeeze %dma_start3A_112 : memref<1x16x2048xf32, #tpu.memory_space<hbm>> -> memref<16x2048xf32, #tpu.memory_space<hbm>>
    %dma_start3A_114 = arith.constant 0 : i32
    %dma_start3A_115 = tpu.memref_slice %arg3[%dma_start3A_110, %add3A_88, %dma_start3A_114] : memref<4x1024x2048xf32, #tpu.memory_space<hbm>> -> memref<1x16x2048xf32, #tpu.memory_space<hbm>>
    %dma_start3A_116 = tpu.memref_squeeze %dma_start3A_115 : memref<1x16x2048xf32, #tpu.memory_space<hbm>> -> memref<16x2048xf32, #tpu.memory_space<hbm>>
    tpu.enqueue_dma source(%arg5 : memref<16x2048xf32, #tpu.memory_space<vmem>>) target(%dma_start3A_116 : memref<16x2048xf32, #tpu.memory_space<hbm>>) target_semaphore(%arg8 : memref<!tpu.dma_semaphore, #tpu.memory_space<semaphore_mem>>)
    %dma_wait3A_117 = arith.constant 0 : i32
    %dma_wait3A_118 = arith.constant 0 : i32
    %dma_wait3A_119 = tpu.memref_slice %arg3[%dma_wait3A_117, %add3A_88, %dma_wait3A_118] : memref<4x1024x2048xf32, #tpu.memory_space<hbm>> -> memref<1x16x2048xf32, #tpu.memory_space<hbm>>
    %dma_wait3A_120 = tpu.memref_squeeze %dma_wait3A_119 : memref<1x16x2048xf32, #tpu.memory_space<hbm>> -> memref<16x2048xf32, #tpu.memory_space<hbm>>
    %dma_wait3A_121 = arith.constant 0 : i32
    %dma_wait3A_122 = tpu.memref_slice %arg3[%dma_wait3A_117, %add3A_88, %dma_wait3A_121] : memref<4x1024x2048xf32, #tpu.memory_space<hbm>> -> memref<1x16x2048xf32, #tpu.memory_space<hbm>>
    %dma_wait3A_123 = tpu.memref_squeeze %dma_wait3A_122 : memref<1x16x2048xf32, #tpu.memory_space<hbm>> -> memref<16x2048xf32, #tpu.memory_space<hbm>>
    tpu.wait_dma2 semaphore(%arg8 : memref<!tpu.dma_semaphore, #tpu.memory_space<semaphore_mem>>) src(%arg5 : memref<16x2048xf32, #tpu.memory_space<vmem>>) dst(%dma_wait3A_123 : memref<16x2048xf32, #tpu.memory_space<hbm>>)
    %dma_wait3A_124 = arith.constant 1 : i32
    %dma_wait3A_125 = arith.constant 0 : i32
    %dma_wait3A_126 = tpu.memref_slice %arg3[%dma_wait3A_124, %add3A_88, %dma_wait3A_125] : memref<4x1024x2048xf32, #tpu.memory_space<hbm>> -> memref<1x16x2048xf32, #tpu.memory_space<hbm>>
    %dma_wait3A_127 = tpu.memref_squeeze %dma_wait3A_126 : memref<1x16x2048xf32, #tpu.memory_space<hbm>> -> memref<16x2048xf32, #tpu.memory_space<hbm>>
    %dma_wait3A_128 = arith.constant 0 : i32
    %dma_wait3A_129 = tpu.memref_slice %arg3[%dma_wait3A_124, %add3A_88, %dma_wait3A_128] : memref<4x1024x2048xf32, #tpu.memory_space<hbm>> -> memref<1x16x2048xf32, #tpu.memory_space<hbm>>
    %dma_wait3A_130 = tpu.memref_squeeze %dma_wait3A_129 : memref<1x16x2048xf32, #tpu.memory_space<hbm>> -> memref<16x2048xf32, #tpu.memory_space<hbm>>
    tpu.wait_dma2 semaphore(%arg8 : memref<!tpu.dma_semaphore, #tpu.memory_space<semaphore_mem>>) src(%arg5 : memref<16x2048xf32, #tpu.memory_space<vmem>>) dst(%dma_wait3A_130 : memref<16x2048xf32, #tpu.memory_space<hbm>>)
    %dma_wait3A_131 = arith.constant 2 : i32
    %dma_wait3A_132 = arith.constant 0 : i32
    %dma_wait3A_133 = tpu.memref_slice %arg3[%dma_wait3A_131, %add3A_88, %dma_wait3A_132] : memref<4x1024x2048xf32, #tpu.memory_space<hbm>> -> memref<1x16x2048xf32, #tpu.memory_space<hbm>>
    %dma_wait3A_134 = tpu.memref_squeeze %dma_wait3A_133 : memref<1x16x2048xf32, #tpu.memory_space<hbm>> -> memref<16x2048xf32, #tpu.memory_space<hbm>>
    %dma_wait3A_135 = arith.constant 0 : i32
    %dma_wait3A_136 = tpu.memref_slice %arg3[%dma_wait3A_131, %add3A_88, %dma_wait3A_135] : memref<4x1024x2048xf32, #tpu.memory_space<hbm>> -> memref<1x16x2048xf32, #tpu.memory_space<hbm>>
    %dma_wait3A_137 = tpu.memref_squeeze %dma_wait3A_136 : memref<1x16x2048xf32, #tpu.memory_space<hbm>> -> memref<16x2048xf32, #tpu.memory_space<hbm>>
    tpu.wait_dma2 semaphore(%arg8 : memref<!tpu.dma_semaphore, #tpu.memory_space<semaphore_mem>>) src(%arg5 : memref<16x2048xf32, #tpu.memory_space<vmem>>) dst(%dma_wait3A_137 : memref<16x2048xf32, #tpu.memory_space<hbm>>)
    %dma_wait3A_138 = arith.constant 3 : i32
    %dma_wait3A_139 = arith.constant 0 : i32
    %dma_wait3A_140 = tpu.memref_slice %arg3[%dma_wait3A_138, %add3A_88, %dma_wait3A_139] : memref<4x1024x2048xf32, #tpu.memory_space<hbm>> -> memref<1x16x2048xf32, #tpu.memory_space<hbm>>
    %dma_wait3A_141 = tpu.memref_squeeze %dma_wait3A_140 : memref<1x16x2048xf32, #tpu.memory_space<hbm>> -> memref<16x2048xf32, #tpu.memory_space<hbm>>
    %dma_wait3A_142 = arith.constant 0 : i32
    %dma_wait3A_143 = tpu.memref_slice %arg3[%dma_wait3A_138, %add3A_88, %dma_wait3A_142] : memref<4x1024x2048xf32, #tpu.memory_space<hbm>> -> memref<1x16x2048xf32, #tpu.memory_space<hbm>>
    %dma_wait3A_144 = tpu.memref_squeeze %dma_wait3A_143 : memref<1x16x2048xf32, #tpu.memory_space<hbm>> -> memref<16x2048xf32, #tpu.memory_space<hbm>>
    tpu.wait_dma2 semaphore(%arg8 : memref<!tpu.dma_semaphore, #tpu.memory_space<semaphore_mem>>) src(%arg5 : memref<16x2048xf32, #tpu.memory_space<vmem>>) dst(%dma_wait3A_144 : memref<16x2048xf32, #tpu.memory_space<hbm>>)
    return
  }
}

module attributes {stable_mosaic.version = 14 : i64} {
  func.func @_tc_body(%arg0: memref<8192x2048xf32, #tpu.memory_space<any>>, %arg1: memref<4x3072x2048xf32, #tpu.memory_space<any>>, %arg2: memref<256x2048xf32, #tpu.memory_space<vmem>>, %arg3: memref<256x2048xf32, #tpu.memory_space<vmem>>, %arg4: memref<256x2048xf32, #tpu.memory_space<vmem>>, %arg5: memref<256x2048xf32, #tpu.memory_space<vmem>>, %arg6: memref<256x2048xf32, #tpu.memory_space<vmem>>, %arg7: memref<256x2048xf32, #tpu.memory_space<vmem>>, %arg8: memref<256x2048xf32, #tpu.memory_space<vmem>>, %arg9: memref<256x2048xf32, #tpu.memory_space<vmem>>, %arg10: memref<256x2048xf32, #tpu.memory_space<vmem>>, %arg11: memref<256x2048xf32, #tpu.memory_space<vmem>>, %arg12: memref<256x2048xf32, #tpu.memory_space<vmem>>, %arg13: memref<256x2048xf32, #tpu.memory_space<vmem>>, %arg14: memref<!tpu.dma_semaphore, #tpu.memory_space<semaphore_mem>>, %arg15: memref<!tpu.dma_semaphore, #tpu.memory_space<semaphore_mem>>, %arg16: memref<!tpu.dma_semaphore, #tpu.memory_space<semaphore_mem>>, %arg17: memref<!tpu.dma_semaphore, #tpu.memory_space<semaphore_mem>>, %arg18: memref<!tpu.dma_semaphore, #tpu.memory_space<semaphore_mem>>, %arg19: memref<!tpu.dma_semaphore, #tpu.memory_space<semaphore_mem>>, %arg20: memref<!tpu.dma_semaphore, #tpu.memory_space<semaphore_mem>>, %arg21: memref<!tpu.dma_semaphore, #tpu.memory_space<semaphore_mem>>, %arg22: memref<!tpu.dma_semaphore, #tpu.memory_space<semaphore_mem>>, %arg23: memref<!tpu.dma_semaphore, #tpu.memory_space<semaphore_mem>>, %arg24: memref<!tpu.dma_semaphore, #tpu.memory_space<semaphore_mem>>, %arg25: memref<!tpu.dma_semaphore, #tpu.memory_space<semaphore_mem>>, %arg26: memref<!tpu.dma_semaphore, #tpu.memory_space<semaphore_mem>>, %arg27: memref<!tpu.dma_semaphore, #tpu.memory_space<semaphore_mem>>, %arg28: memref<!tpu.dma_semaphore, #tpu.memory_space<semaphore_mem>>, %arg29: memref<!tpu.dma_semaphore, #tpu.memory_space<semaphore_mem>>, %arg30: memref<!tpu.dma_semaphore, #tpu.memory_space<semaphore_mem>>, %arg31: memref<!tpu.dma_semaphore, #tpu.memory_space<semaphore_mem>>, %arg32: memref<!tpu.dma_semaphore, #tpu.memory_space<semaphore_mem>>, %arg33: memref<!tpu.dma_semaphore, #tpu.memory_space<semaphore_mem>>, %arg34: memref<!tpu.dma_semaphore, #tpu.memory_space<semaphore_mem>>, %arg35: memref<!tpu.dma_semaphore, #tpu.memory_space<semaphore_mem>>, %arg36: memref<!tpu.dma_semaphore, #tpu.memory_space<semaphore_mem>>, %arg37: memref<!tpu.dma_semaphore, #tpu.memory_space<semaphore_mem>>) attributes {dimension_semantics = [], scalar_prefetch = 0 : i64, scratch_operands = 36 : i64, tpu.core_type = #tpu.core_type<tc>} {
    %dma_start3A = arith.constant 0 : i32
    %dma_start3A_0 = arith.constant 0 : i32
    %dma_start3A_1 = tpu.memref_slice %arg0[%dma_start3A, %dma_start3A_0] : memref<8192x2048xf32, #tpu.memory_space<any>> -> memref<256x2048xf32, #tpu.memory_space<any>>
    tpu.enqueue_dma source(%dma_start3A_1 : memref<256x2048xf32, #tpu.memory_space<any>>) target(%arg2 : memref<256x2048xf32, #tpu.memory_space<vmem>>) target_semaphore(%arg14 : memref<!tpu.dma_semaphore, #tpu.memory_space<semaphore_mem>>)
    %dma_start3A_2 = arith.constant 256 : i32
    %dma_start3A_3 = arith.constant 0 : i32
    %dma_start3A_4 = tpu.memref_slice %arg0[%dma_start3A_2, %dma_start3A_3] : memref<8192x2048xf32, #tpu.memory_space<any>> -> memref<256x2048xf32, #tpu.memory_space<any>>
    tpu.enqueue_dma source(%dma_start3A_4 : memref<256x2048xf32, #tpu.memory_space<any>>) target(%arg3 : memref<256x2048xf32, #tpu.memory_space<vmem>>) target_semaphore(%arg15 : memref<!tpu.dma_semaphore, #tpu.memory_space<semaphore_mem>>)
    %dma_start3A_5 = arith.constant 512 : i32
    %dma_start3A_6 = arith.constant 0 : i32
    %dma_start3A_7 = tpu.memref_slice %arg0[%dma_start3A_5, %dma_start3A_6] : memref<8192x2048xf32, #tpu.memory_space<any>> -> memref<256x2048xf32, #tpu.memory_space<any>>
    tpu.enqueue_dma source(%dma_start3A_7 : memref<256x2048xf32, #tpu.memory_space<any>>) target(%arg4 : memref<256x2048xf32, #tpu.memory_space<vmem>>) target_semaphore(%arg16 : memref<!tpu.dma_semaphore, #tpu.memory_space<semaphore_mem>>)
    %dma_start3A_8 = arith.constant 768 : i32
    %dma_start3A_9 = arith.constant 0 : i32
    %dma_start3A_10 = tpu.memref_slice %arg0[%dma_start3A_8, %dma_start3A_9] : memref<8192x2048xf32, #tpu.memory_space<any>> -> memref<256x2048xf32, #tpu.memory_space<any>>
    tpu.enqueue_dma source(%dma_start3A_10 : memref<256x2048xf32, #tpu.memory_space<any>>) target(%arg5 : memref<256x2048xf32, #tpu.memory_space<vmem>>) target_semaphore(%arg17 : memref<!tpu.dma_semaphore, #tpu.memory_space<semaphore_mem>>)
    %dma_start3A_11 = arith.constant 1024 : i32
    %dma_start3A_12 = arith.constant 0 : i32
    %dma_start3A_13 = tpu.memref_slice %arg0[%dma_start3A_11, %dma_start3A_12] : memref<8192x2048xf32, #tpu.memory_space<any>> -> memref<256x2048xf32, #tpu.memory_space<any>>
    tpu.enqueue_dma source(%dma_start3A_13 : memref<256x2048xf32, #tpu.memory_space<any>>) target(%arg6 : memref<256x2048xf32, #tpu.memory_space<vmem>>) target_semaphore(%arg18 : memref<!tpu.dma_semaphore, #tpu.memory_space<semaphore_mem>>)
    %dma_start3A_14 = arith.constant 1280 : i32
    %dma_start3A_15 = arith.constant 0 : i32
    %dma_start3A_16 = tpu.memref_slice %arg0[%dma_start3A_14, %dma_start3A_15] : memref<8192x2048xf32, #tpu.memory_space<any>> -> memref<256x2048xf32, #tpu.memory_space<any>>
    tpu.enqueue_dma source(%dma_start3A_16 : memref<256x2048xf32, #tpu.memory_space<any>>) target(%arg7 : memref<256x2048xf32, #tpu.memory_space<vmem>>) target_semaphore(%arg19 : memref<!tpu.dma_semaphore, #tpu.memory_space<semaphore_mem>>)
    %dma_start3A_17 = arith.constant 1536 : i32
    %dma_start3A_18 = arith.constant 0 : i32
    %dma_start3A_19 = tpu.memref_slice %arg0[%dma_start3A_17, %dma_start3A_18] : memref<8192x2048xf32, #tpu.memory_space<any>> -> memref<256x2048xf32, #tpu.memory_space<any>>
    tpu.enqueue_dma source(%dma_start3A_19 : memref<256x2048xf32, #tpu.memory_space<any>>) target(%arg8 : memref<256x2048xf32, #tpu.memory_space<vmem>>) target_semaphore(%arg20 : memref<!tpu.dma_semaphore, #tpu.memory_space<semaphore_mem>>)
    %dma_start3A_20 = arith.constant 1792 : i32
    %dma_start3A_21 = arith.constant 0 : i32
    %dma_start3A_22 = tpu.memref_slice %arg0[%dma_start3A_20, %dma_start3A_21] : memref<8192x2048xf32, #tpu.memory_space<any>> -> memref<256x2048xf32, #tpu.memory_space<any>>
    tpu.enqueue_dma source(%dma_start3A_22 : memref<256x2048xf32, #tpu.memory_space<any>>) target(%arg9 : memref<256x2048xf32, #tpu.memory_space<vmem>>) target_semaphore(%arg21 : memref<!tpu.dma_semaphore, #tpu.memory_space<semaphore_mem>>)
    %dma_start3A_23 = arith.constant 2048 : i32
    %dma_start3A_24 = arith.constant 0 : i32
    %dma_start3A_25 = tpu.memref_slice %arg0[%dma_start3A_23, %dma_start3A_24] : memref<8192x2048xf32, #tpu.memory_space<any>> -> memref<256x2048xf32, #tpu.memory_space<any>>
    tpu.enqueue_dma source(%dma_start3A_25 : memref<256x2048xf32, #tpu.memory_space<any>>) target(%arg10 : memref<256x2048xf32, #tpu.memory_space<vmem>>) target_semaphore(%arg22 : memref<!tpu.dma_semaphore, #tpu.memory_space<semaphore_mem>>)
    %dma_start3A_26 = arith.constant 2304 : i32
    %dma_start3A_27 = arith.constant 0 : i32
    %dma_start3A_28 = tpu.memref_slice %arg0[%dma_start3A_26, %dma_start3A_27] : memref<8192x2048xf32, #tpu.memory_space<any>> -> memref<256x2048xf32, #tpu.memory_space<any>>
    tpu.enqueue_dma source(%dma_start3A_28 : memref<256x2048xf32, #tpu.memory_space<any>>) target(%arg11 : memref<256x2048xf32, #tpu.memory_space<vmem>>) target_semaphore(%arg23 : memref<!tpu.dma_semaphore, #tpu.memory_space<semaphore_mem>>)
    %dma_start3A_29 = arith.constant 2560 : i32
    %dma_start3A_30 = arith.constant 0 : i32
    %dma_start3A_31 = tpu.memref_slice %arg0[%dma_start3A_29, %dma_start3A_30] : memref<8192x2048xf32, #tpu.memory_space<any>> -> memref<256x2048xf32, #tpu.memory_space<any>>
    tpu.enqueue_dma source(%dma_start3A_31 : memref<256x2048xf32, #tpu.memory_space<any>>) target(%arg12 : memref<256x2048xf32, #tpu.memory_space<vmem>>) target_semaphore(%arg24 : memref<!tpu.dma_semaphore, #tpu.memory_space<semaphore_mem>>)
    %dma_start3A_32 = arith.constant 2816 : i32
    %dma_start3A_33 = arith.constant 0 : i32
    %dma_start3A_34 = tpu.memref_slice %arg0[%dma_start3A_32, %dma_start3A_33] : memref<8192x2048xf32, #tpu.memory_space<any>> -> memref<256x2048xf32, #tpu.memory_space<any>>
    tpu.enqueue_dma source(%dma_start3A_34 : memref<256x2048xf32, #tpu.memory_space<any>>) target(%arg13 : memref<256x2048xf32, #tpu.memory_space<vmem>>) target_semaphore(%arg25 : memref<!tpu.dma_semaphore, #tpu.memory_space<semaphore_mem>>)
    %dma_wait3A = arith.constant 0 : i32
    %dma_wait3A_35 = arith.constant 0 : i32
    %dma_wait3A_36 = tpu.memref_slice %arg0[%dma_wait3A, %dma_wait3A_35] : memref<8192x2048xf32, #tpu.memory_space<any>> -> memref<256x2048xf32, #tpu.memory_space<any>>
    tpu.wait_dma2 semaphore(%arg14 : memref<!tpu.dma_semaphore, #tpu.memory_space<semaphore_mem>>) src(%dma_wait3A_36 : memref<256x2048xf32, #tpu.memory_space<any>>) dst(%arg2 : memref<256x2048xf32, #tpu.memory_space<vmem>>)
    %dma_start3A_37 = arith.constant 0 : i32
    %dma_start3A_38 = arith.constant 0 : i32
    %dma_start3A_39 = arith.constant 0 : i32
    %dma_start3A_40 = tpu.memref_slice %arg1[%dma_start3A_37, %dma_start3A_38, %dma_start3A_39] : memref<4x3072x2048xf32, #tpu.memory_space<any>> -> memref<1x256x2048xf32, #tpu.memory_space<any>>
    %dma_start3A_41 = tpu.memref_squeeze %dma_start3A_40 : memref<1x256x2048xf32, #tpu.memory_space<any>> -> memref<256x2048xf32, #tpu.memory_space<any>>
    tpu.enqueue_dma source(%arg2 : memref<256x2048xf32, #tpu.memory_space<vmem>>) target(%dma_start3A_41 : memref<256x2048xf32, #tpu.memory_space<any>>) target_semaphore(%arg26 : memref<!tpu.dma_semaphore, #tpu.memory_space<semaphore_mem>>)
    %dma_start3A_42 = arith.constant 1 : i32
    %dma_start3A_43 = arith.constant 0 : i32
    %dma_start3A_44 = arith.constant 0 : i32
    %dma_start3A_45 = tpu.memref_slice %arg1[%dma_start3A_42, %dma_start3A_43, %dma_start3A_44] : memref<4x3072x2048xf32, #tpu.memory_space<any>> -> memref<1x256x2048xf32, #tpu.memory_space<any>>
    %dma_start3A_46 = tpu.memref_squeeze %dma_start3A_45 : memref<1x256x2048xf32, #tpu.memory_space<any>> -> memref<256x2048xf32, #tpu.memory_space<any>>
    tpu.enqueue_dma source(%arg2 : memref<256x2048xf32, #tpu.memory_space<vmem>>) target(%dma_start3A_46 : memref<256x2048xf32, #tpu.memory_space<any>>) target_semaphore(%arg26 : memref<!tpu.dma_semaphore, #tpu.memory_space<semaphore_mem>>)
    %dma_start3A_47 = arith.constant 2 : i32
    %dma_start3A_48 = arith.constant 0 : i32
    %dma_start3A_49 = arith.constant 0 : i32
    %dma_start3A_50 = tpu.memref_slice %arg1[%dma_start3A_47, %dma_start3A_48, %dma_start3A_49] : memref<4x3072x2048xf32, #tpu.memory_space<any>> -> memref<1x256x2048xf32, #tpu.memory_space<any>>
    %dma_start3A_51 = tpu.memref_squeeze %dma_start3A_50 : memref<1x256x2048xf32, #tpu.memory_space<any>> -> memref<256x2048xf32, #tpu.memory_space<any>>
    tpu.enqueue_dma source(%arg2 : memref<256x2048xf32, #tpu.memory_space<vmem>>) target(%dma_start3A_51 : memref<256x2048xf32, #tpu.memory_space<any>>) target_semaphore(%arg26 : memref<!tpu.dma_semaphore, #tpu.memory_space<semaphore_mem>>)
    %dma_start3A_52 = arith.constant 3 : i32
    %dma_start3A_53 = arith.constant 0 : i32
    %dma_start3A_54 = arith.constant 0 : i32
    %dma_start3A_55 = tpu.memref_slice %arg1[%dma_start3A_52, %dma_start3A_53, %dma_start3A_54] : memref<4x3072x2048xf32, #tpu.memory_space<any>> -> memref<1x256x2048xf32, #tpu.memory_space<any>>
    %dma_start3A_56 = tpu.memref_squeeze %dma_start3A_55 : memref<1x256x2048xf32, #tpu.memory_space<any>> -> memref<256x2048xf32, #tpu.memory_space<any>>
    tpu.enqueue_dma source(%arg2 : memref<256x2048xf32, #tpu.memory_space<vmem>>) target(%dma_start3A_56 : memref<256x2048xf32, #tpu.memory_space<any>>) target_semaphore(%arg26 : memref<!tpu.dma_semaphore, #tpu.memory_space<semaphore_mem>>)
    %dma_wait3A_57 = arith.constant 256 : i32
    %dma_wait3A_58 = arith.constant 0 : i32
    %dma_wait3A_59 = tpu.memref_slice %arg0[%dma_wait3A_57, %dma_wait3A_58] : memref<8192x2048xf32, #tpu.memory_space<any>> -> memref<256x2048xf32, #tpu.memory_space<any>>
    tpu.wait_dma2 semaphore(%arg15 : memref<!tpu.dma_semaphore, #tpu.memory_space<semaphore_mem>>) src(%dma_wait3A_59 : memref<256x2048xf32, #tpu.memory_space<any>>) dst(%arg3 : memref<256x2048xf32, #tpu.memory_space<vmem>>)
    %dma_start3A_60 = arith.constant 0 : i32
    %dma_start3A_61 = arith.constant 256 : i32
    %dma_start3A_62 = arith.constant 0 : i32
    %dma_start3A_63 = tpu.memref_slice %arg1[%dma_start3A_60, %dma_start3A_61, %dma_start3A_62] : memref<4x3072x2048xf32, #tpu.memory_space<any>> -> memref<1x256x2048xf32, #tpu.memory_space<any>>
    %dma_start3A_64 = tpu.memref_squeeze %dma_start3A_63 : memref<1x256x2048xf32, #tpu.memory_space<any>> -> memref<256x2048xf32, #tpu.memory_space<any>>
    tpu.enqueue_dma source(%arg3 : memref<256x2048xf32, #tpu.memory_space<vmem>>) target(%dma_start3A_64 : memref<256x2048xf32, #tpu.memory_space<any>>) target_semaphore(%arg27 : memref<!tpu.dma_semaphore, #tpu.memory_space<semaphore_mem>>)
    %dma_start3A_65 = arith.constant 1 : i32
    %dma_start3A_66 = arith.constant 256 : i32
    %dma_start3A_67 = arith.constant 0 : i32
    %dma_start3A_68 = tpu.memref_slice %arg1[%dma_start3A_65, %dma_start3A_66, %dma_start3A_67] : memref<4x3072x2048xf32, #tpu.memory_space<any>> -> memref<1x256x2048xf32, #tpu.memory_space<any>>
    %dma_start3A_69 = tpu.memref_squeeze %dma_start3A_68 : memref<1x256x2048xf32, #tpu.memory_space<any>> -> memref<256x2048xf32, #tpu.memory_space<any>>
    tpu.enqueue_dma source(%arg3 : memref<256x2048xf32, #tpu.memory_space<vmem>>) target(%dma_start3A_69 : memref<256x2048xf32, #tpu.memory_space<any>>) target_semaphore(%arg27 : memref<!tpu.dma_semaphore, #tpu.memory_space<semaphore_mem>>)
    %dma_start3A_70 = arith.constant 2 : i32
    %dma_start3A_71 = arith.constant 256 : i32
    %dma_start3A_72 = arith.constant 0 : i32
    %dma_start3A_73 = tpu.memref_slice %arg1[%dma_start3A_70, %dma_start3A_71, %dma_start3A_72] : memref<4x3072x2048xf32, #tpu.memory_space<any>> -> memref<1x256x2048xf32, #tpu.memory_space<any>>
    %dma_start3A_74 = tpu.memref_squeeze %dma_start3A_73 : memref<1x256x2048xf32, #tpu.memory_space<any>> -> memref<256x2048xf32, #tpu.memory_space<any>>
    tpu.enqueue_dma source(%arg3 : memref<256x2048xf32, #tpu.memory_space<vmem>>) target(%dma_start3A_74 : memref<256x2048xf32, #tpu.memory_space<any>>) target_semaphore(%arg27 : memref<!tpu.dma_semaphore, #tpu.memory_space<semaphore_mem>>)
    %dma_start3A_75 = arith.constant 3 : i32
    %dma_start3A_76 = arith.constant 256 : i32
    %dma_start3A_77 = arith.constant 0 : i32
    %dma_start3A_78 = tpu.memref_slice %arg1[%dma_start3A_75, %dma_start3A_76, %dma_start3A_77] : memref<4x3072x2048xf32, #tpu.memory_space<any>> -> memref<1x256x2048xf32, #tpu.memory_space<any>>
    %dma_start3A_79 = tpu.memref_squeeze %dma_start3A_78 : memref<1x256x2048xf32, #tpu.memory_space<any>> -> memref<256x2048xf32, #tpu.memory_space<any>>
    tpu.enqueue_dma source(%arg3 : memref<256x2048xf32, #tpu.memory_space<vmem>>) target(%dma_start3A_79 : memref<256x2048xf32, #tpu.memory_space<any>>) target_semaphore(%arg27 : memref<!tpu.dma_semaphore, #tpu.memory_space<semaphore_mem>>)
    %dma_wait3A_80 = arith.constant 512 : i32
    %dma_wait3A_81 = arith.constant 0 : i32
    %dma_wait3A_82 = tpu.memref_slice %arg0[%dma_wait3A_80, %dma_wait3A_81] : memref<8192x2048xf32, #tpu.memory_space<any>> -> memref<256x2048xf32, #tpu.memory_space<any>>
    tpu.wait_dma2 semaphore(%arg16 : memref<!tpu.dma_semaphore, #tpu.memory_space<semaphore_mem>>) src(%dma_wait3A_82 : memref<256x2048xf32, #tpu.memory_space<any>>) dst(%arg4 : memref<256x2048xf32, #tpu.memory_space<vmem>>)
    %dma_start3A_83 = arith.constant 0 : i32
    %dma_start3A_84 = arith.constant 512 : i32
    %dma_start3A_85 = arith.constant 0 : i32
    %dma_start3A_86 = tpu.memref_slice %arg1[%dma_start3A_83, %dma_start3A_84, %dma_start3A_85] : memref<4x3072x2048xf32, #tpu.memory_space<any>> -> memref<1x256x2048xf32, #tpu.memory_space<any>>
    %dma_start3A_87 = tpu.memref_squeeze %dma_start3A_86 : memref<1x256x2048xf32, #tpu.memory_space<any>> -> memref<256x2048xf32, #tpu.memory_space<any>>
    tpu.enqueue_dma source(%arg4 : memref<256x2048xf32, #tpu.memory_space<vmem>>) target(%dma_start3A_87 : memref<256x2048xf32, #tpu.memory_space<any>>) target_semaphore(%arg28 : memref<!tpu.dma_semaphore, #tpu.memory_space<semaphore_mem>>)
    %dma_start3A_88 = arith.constant 1 : i32
    %dma_start3A_89 = arith.constant 512 : i32
    %dma_start3A_90 = arith.constant 0 : i32
    %dma_start3A_91 = tpu.memref_slice %arg1[%dma_start3A_88, %dma_start3A_89, %dma_start3A_90] : memref<4x3072x2048xf32, #tpu.memory_space<any>> -> memref<1x256x2048xf32, #tpu.memory_space<any>>
    %dma_start3A_92 = tpu.memref_squeeze %dma_start3A_91 : memref<1x256x2048xf32, #tpu.memory_space<any>> -> memref<256x2048xf32, #tpu.memory_space<any>>
    tpu.enqueue_dma source(%arg4 : memref<256x2048xf32, #tpu.memory_space<vmem>>) target(%dma_start3A_92 : memref<256x2048xf32, #tpu.memory_space<any>>) target_semaphore(%arg28 : memref<!tpu.dma_semaphore, #tpu.memory_space<semaphore_mem>>)
    %dma_start3A_93 = arith.constant 2 : i32
    %dma_start3A_94 = arith.constant 512 : i32
    %dma_start3A_95 = arith.constant 0 : i32
    %dma_start3A_96 = tpu.memref_slice %arg1[%dma_start3A_93, %dma_start3A_94, %dma_start3A_95] : memref<4x3072x2048xf32, #tpu.memory_space<any>> -> memref<1x256x2048xf32, #tpu.memory_space<any>>
    %dma_start3A_97 = tpu.memref_squeeze %dma_start3A_96 : memref<1x256x2048xf32, #tpu.memory_space<any>> -> memref<256x2048xf32, #tpu.memory_space<any>>
    tpu.enqueue_dma source(%arg4 : memref<256x2048xf32, #tpu.memory_space<vmem>>) target(%dma_start3A_97 : memref<256x2048xf32, #tpu.memory_space<any>>) target_semaphore(%arg28 : memref<!tpu.dma_semaphore, #tpu.memory_space<semaphore_mem>>)
    %dma_start3A_98 = arith.constant 3 : i32
    %dma_start3A_99 = arith.constant 512 : i32
    %dma_start3A_100 = arith.constant 0 : i32
    %dma_start3A_101 = tpu.memref_slice %arg1[%dma_start3A_98, %dma_start3A_99, %dma_start3A_100] : memref<4x3072x2048xf32, #tpu.memory_space<any>> -> memref<1x256x2048xf32, #tpu.memory_space<any>>
    %dma_start3A_102 = tpu.memref_squeeze %dma_start3A_101 : memref<1x256x2048xf32, #tpu.memory_space<any>> -> memref<256x2048xf32, #tpu.memory_space<any>>
    tpu.enqueue_dma source(%arg4 : memref<256x2048xf32, #tpu.memory_space<vmem>>) target(%dma_start3A_102 : memref<256x2048xf32, #tpu.memory_space<any>>) target_semaphore(%arg28 : memref<!tpu.dma_semaphore, #tpu.memory_space<semaphore_mem>>)
    %dma_wait3A_103 = arith.constant 768 : i32
    %dma_wait3A_104 = arith.constant 0 : i32
    %dma_wait3A_105 = tpu.memref_slice %arg0[%dma_wait3A_103, %dma_wait3A_104] : memref<8192x2048xf32, #tpu.memory_space<any>> -> memref<256x2048xf32, #tpu.memory_space<any>>
    tpu.wait_dma2 semaphore(%arg17 : memref<!tpu.dma_semaphore, #tpu.memory_space<semaphore_mem>>) src(%dma_wait3A_105 : memref<256x2048xf32, #tpu.memory_space<any>>) dst(%arg5 : memref<256x2048xf32, #tpu.memory_space<vmem>>)
    %dma_start3A_106 = arith.constant 0 : i32
    %dma_start3A_107 = arith.constant 768 : i32
    %dma_start3A_108 = arith.constant 0 : i32
    %dma_start3A_109 = tpu.memref_slice %arg1[%dma_start3A_106, %dma_start3A_107, %dma_start3A_108] : memref<4x3072x2048xf32, #tpu.memory_space<any>> -> memref<1x256x2048xf32, #tpu.memory_space<any>>
    %dma_start3A_110 = tpu.memref_squeeze %dma_start3A_109 : memref<1x256x2048xf32, #tpu.memory_space<any>> -> memref<256x2048xf32, #tpu.memory_space<any>>
    tpu.enqueue_dma source(%arg5 : memref<256x2048xf32, #tpu.memory_space<vmem>>) target(%dma_start3A_110 : memref<256x2048xf32, #tpu.memory_space<any>>) target_semaphore(%arg29 : memref<!tpu.dma_semaphore, #tpu.memory_space<semaphore_mem>>)
    %dma_start3A_111 = arith.constant 1 : i32
    %dma_start3A_112 = arith.constant 768 : i32
    %dma_start3A_113 = arith.constant 0 : i32
    %dma_start3A_114 = tpu.memref_slice %arg1[%dma_start3A_111, %dma_start3A_112, %dma_start3A_113] : memref<4x3072x2048xf32, #tpu.memory_space<any>> -> memref<1x256x2048xf32, #tpu.memory_space<any>>
    %dma_start3A_115 = tpu.memref_squeeze %dma_start3A_114 : memref<1x256x2048xf32, #tpu.memory_space<any>> -> memref<256x2048xf32, #tpu.memory_space<any>>
    tpu.enqueue_dma source(%arg5 : memref<256x2048xf32, #tpu.memory_space<vmem>>) target(%dma_start3A_115 : memref<256x2048xf32, #tpu.memory_space<any>>) target_semaphore(%arg29 : memref<!tpu.dma_semaphore, #tpu.memory_space<semaphore_mem>>)
    %dma_start3A_116 = arith.constant 2 : i32
    %dma_start3A_117 = arith.constant 768 : i32
    %dma_start3A_118 = arith.constant 0 : i32
    %dma_start3A_119 = tpu.memref_slice %arg1[%dma_start3A_116, %dma_start3A_117, %dma_start3A_118] : memref<4x3072x2048xf32, #tpu.memory_space<any>> -> memref<1x256x2048xf32, #tpu.memory_space<any>>
    %dma_start3A_120 = tpu.memref_squeeze %dma_start3A_119 : memref<1x256x2048xf32, #tpu.memory_space<any>> -> memref<256x2048xf32, #tpu.memory_space<any>>
    tpu.enqueue_dma source(%arg5 : memref<256x2048xf32, #tpu.memory_space<vmem>>) target(%dma_start3A_120 : memref<256x2048xf32, #tpu.memory_space<any>>) target_semaphore(%arg29 : memref<!tpu.dma_semaphore, #tpu.memory_space<semaphore_mem>>)
    %dma_start3A_121 = arith.constant 3 : i32
    %dma_start3A_122 = arith.constant 768 : i32
    %dma_start3A_123 = arith.constant 0 : i32
    %dma_start3A_124 = tpu.memref_slice %arg1[%dma_start3A_121, %dma_start3A_122, %dma_start3A_123] : memref<4x3072x2048xf32, #tpu.memory_space<any>> -> memref<1x256x2048xf32, #tpu.memory_space<any>>
    %dma_start3A_125 = tpu.memref_squeeze %dma_start3A_124 : memref<1x256x2048xf32, #tpu.memory_space<any>> -> memref<256x2048xf32, #tpu.memory_space<any>>
    tpu.enqueue_dma source(%arg5 : memref<256x2048xf32, #tpu.memory_space<vmem>>) target(%dma_start3A_125 : memref<256x2048xf32, #tpu.memory_space<any>>) target_semaphore(%arg29 : memref<!tpu.dma_semaphore, #tpu.memory_space<semaphore_mem>>)
    %dma_wait3A_126 = arith.constant 1024 : i32
    %dma_wait3A_127 = arith.constant 0 : i32
    %dma_wait3A_128 = tpu.memref_slice %arg0[%dma_wait3A_126, %dma_wait3A_127] : memref<8192x2048xf32, #tpu.memory_space<any>> -> memref<256x2048xf32, #tpu.memory_space<any>>
    tpu.wait_dma2 semaphore(%arg18 : memref<!tpu.dma_semaphore, #tpu.memory_space<semaphore_mem>>) src(%dma_wait3A_128 : memref<256x2048xf32, #tpu.memory_space<any>>) dst(%arg6 : memref<256x2048xf32, #tpu.memory_space<vmem>>)
    %dma_start3A_129 = arith.constant 0 : i32
    %dma_start3A_130 = arith.constant 1024 : i32
    %dma_start3A_131 = arith.constant 0 : i32
    %dma_start3A_132 = tpu.memref_slice %arg1[%dma_start3A_129, %dma_start3A_130, %dma_start3A_131] : memref<4x3072x2048xf32, #tpu.memory_space<any>> -> memref<1x256x2048xf32, #tpu.memory_space<any>>
    %dma_start3A_133 = tpu.memref_squeeze %dma_start3A_132 : memref<1x256x2048xf32, #tpu.memory_space<any>> -> memref<256x2048xf32, #tpu.memory_space<any>>
    tpu.enqueue_dma source(%arg6 : memref<256x2048xf32, #tpu.memory_space<vmem>>) target(%dma_start3A_133 : memref<256x2048xf32, #tpu.memory_space<any>>) target_semaphore(%arg30 : memref<!tpu.dma_semaphore, #tpu.memory_space<semaphore_mem>>)
    %dma_start3A_134 = arith.constant 1 : i32
    %dma_start3A_135 = arith.constant 1024 : i32
    %dma_start3A_136 = arith.constant 0 : i32
    %dma_start3A_137 = tpu.memref_slice %arg1[%dma_start3A_134, %dma_start3A_135, %dma_start3A_136] : memref<4x3072x2048xf32, #tpu.memory_space<any>> -> memref<1x256x2048xf32, #tpu.memory_space<any>>
    %dma_start3A_138 = tpu.memref_squeeze %dma_start3A_137 : memref<1x256x2048xf32, #tpu.memory_space<any>> -> memref<256x2048xf32, #tpu.memory_space<any>>
    tpu.enqueue_dma source(%arg6 : memref<256x2048xf32, #tpu.memory_space<vmem>>) target(%dma_start3A_138 : memref<256x2048xf32, #tpu.memory_space<any>>) target_semaphore(%arg30 : memref<!tpu.dma_semaphore, #tpu.memory_space<semaphore_mem>>)
    %dma_start3A_139 = arith.constant 2 : i32
    %dma_start3A_140 = arith.constant 1024 : i32
    %dma_start3A_141 = arith.constant 0 : i32
    %dma_start3A_142 = tpu.memref_slice %arg1[%dma_start3A_139, %dma_start3A_140, %dma_start3A_141] : memref<4x3072x2048xf32, #tpu.memory_space<any>> -> memref<1x256x2048xf32, #tpu.memory_space<any>>
    %dma_start3A_143 = tpu.memref_squeeze %dma_start3A_142 : memref<1x256x2048xf32, #tpu.memory_space<any>> -> memref<256x2048xf32, #tpu.memory_space<any>>
    tpu.enqueue_dma source(%arg6 : memref<256x2048xf32, #tpu.memory_space<vmem>>) target(%dma_start3A_143 : memref<256x2048xf32, #tpu.memory_space<any>>) target_semaphore(%arg30 : memref<!tpu.dma_semaphore, #tpu.memory_space<semaphore_mem>>)
    %dma_start3A_144 = arith.constant 3 : i32
    %dma_start3A_145 = arith.constant 1024 : i32
    %dma_start3A_146 = arith.constant 0 : i32
    %dma_start3A_147 = tpu.memref_slice %arg1[%dma_start3A_144, %dma_start3A_145, %dma_start3A_146] : memref<4x3072x2048xf32, #tpu.memory_space<any>> -> memref<1x256x2048xf32, #tpu.memory_space<any>>
    %dma_start3A_148 = tpu.memref_squeeze %dma_start3A_147 : memref<1x256x2048xf32, #tpu.memory_space<any>> -> memref<256x2048xf32, #tpu.memory_space<any>>
    tpu.enqueue_dma source(%arg6 : memref<256x2048xf32, #tpu.memory_space<vmem>>) target(%dma_start3A_148 : memref<256x2048xf32, #tpu.memory_space<any>>) target_semaphore(%arg30 : memref<!tpu.dma_semaphore, #tpu.memory_space<semaphore_mem>>)
    %dma_wait3A_149 = arith.constant 1280 : i32
    %dma_wait3A_150 = arith.constant 0 : i32
    %dma_wait3A_151 = tpu.memref_slice %arg0[%dma_wait3A_149, %dma_wait3A_150] : memref<8192x2048xf32, #tpu.memory_space<any>> -> memref<256x2048xf32, #tpu.memory_space<any>>
    tpu.wait_dma2 semaphore(%arg19 : memref<!tpu.dma_semaphore, #tpu.memory_space<semaphore_mem>>) src(%dma_wait3A_151 : memref<256x2048xf32, #tpu.memory_space<any>>) dst(%arg7 : memref<256x2048xf32, #tpu.memory_space<vmem>>)
    %dma_start3A_152 = arith.constant 0 : i32
    %dma_start3A_153 = arith.constant 1280 : i32
    %dma_start3A_154 = arith.constant 0 : i32
    %dma_start3A_155 = tpu.memref_slice %arg1[%dma_start3A_152, %dma_start3A_153, %dma_start3A_154] : memref<4x3072x2048xf32, #tpu.memory_space<any>> -> memref<1x256x2048xf32, #tpu.memory_space<any>>
    %dma_start3A_156 = tpu.memref_squeeze %dma_start3A_155 : memref<1x256x2048xf32, #tpu.memory_space<any>> -> memref<256x2048xf32, #tpu.memory_space<any>>
    tpu.enqueue_dma source(%arg7 : memref<256x2048xf32, #tpu.memory_space<vmem>>) target(%dma_start3A_156 : memref<256x2048xf32, #tpu.memory_space<any>>) target_semaphore(%arg31 : memref<!tpu.dma_semaphore, #tpu.memory_space<semaphore_mem>>)
    %dma_start3A_157 = arith.constant 1 : i32
    %dma_start3A_158 = arith.constant 1280 : i32
    %dma_start3A_159 = arith.constant 0 : i32
    %dma_start3A_160 = tpu.memref_slice %arg1[%dma_start3A_157, %dma_start3A_158, %dma_start3A_159] : memref<4x3072x2048xf32, #tpu.memory_space<any>> -> memref<1x256x2048xf32, #tpu.memory_space<any>>
    %dma_start3A_161 = tpu.memref_squeeze %dma_start3A_160 : memref<1x256x2048xf32, #tpu.memory_space<any>> -> memref<256x2048xf32, #tpu.memory_space<any>>
    tpu.enqueue_dma source(%arg7 : memref<256x2048xf32, #tpu.memory_space<vmem>>) target(%dma_start3A_161 : memref<256x2048xf32, #tpu.memory_space<any>>) target_semaphore(%arg31 : memref<!tpu.dma_semaphore, #tpu.memory_space<semaphore_mem>>)
    %dma_start3A_162 = arith.constant 2 : i32
    %dma_start3A_163 = arith.constant 1280 : i32
    %dma_start3A_164 = arith.constant 0 : i32
    %dma_start3A_165 = tpu.memref_slice %arg1[%dma_start3A_162, %dma_start3A_163, %dma_start3A_164] : memref<4x3072x2048xf32, #tpu.memory_space<any>> -> memref<1x256x2048xf32, #tpu.memory_space<any>>
    %dma_start3A_166 = tpu.memref_squeeze %dma_start3A_165 : memref<1x256x2048xf32, #tpu.memory_space<any>> -> memref<256x2048xf32, #tpu.memory_space<any>>
    tpu.enqueue_dma source(%arg7 : memref<256x2048xf32, #tpu.memory_space<vmem>>) target(%dma_start3A_166 : memref<256x2048xf32, #tpu.memory_space<any>>) target_semaphore(%arg31 : memref<!tpu.dma_semaphore, #tpu.memory_space<semaphore_mem>>)
    %dma_start3A_167 = arith.constant 3 : i32
    %dma_start3A_168 = arith.constant 1280 : i32
    %dma_start3A_169 = arith.constant 0 : i32
    %dma_start3A_170 = tpu.memref_slice %arg1[%dma_start3A_167, %dma_start3A_168, %dma_start3A_169] : memref<4x3072x2048xf32, #tpu.memory_space<any>> -> memref<1x256x2048xf32, #tpu.memory_space<any>>
    %dma_start3A_171 = tpu.memref_squeeze %dma_start3A_170 : memref<1x256x2048xf32, #tpu.memory_space<any>> -> memref<256x2048xf32, #tpu.memory_space<any>>
    tpu.enqueue_dma source(%arg7 : memref<256x2048xf32, #tpu.memory_space<vmem>>) target(%dma_start3A_171 : memref<256x2048xf32, #tpu.memory_space<any>>) target_semaphore(%arg31 : memref<!tpu.dma_semaphore, #tpu.memory_space<semaphore_mem>>)
    %dma_wait3A_172 = arith.constant 1536 : i32
    %dma_wait3A_173 = arith.constant 0 : i32
    %dma_wait3A_174 = tpu.memref_slice %arg0[%dma_wait3A_172, %dma_wait3A_173] : memref<8192x2048xf32, #tpu.memory_space<any>> -> memref<256x2048xf32, #tpu.memory_space<any>>
    tpu.wait_dma2 semaphore(%arg20 : memref<!tpu.dma_semaphore, #tpu.memory_space<semaphore_mem>>) src(%dma_wait3A_174 : memref<256x2048xf32, #tpu.memory_space<any>>) dst(%arg8 : memref<256x2048xf32, #tpu.memory_space<vmem>>)
    %dma_start3A_175 = arith.constant 0 : i32
    %dma_start3A_176 = arith.constant 1536 : i32
    %dma_start3A_177 = arith.constant 0 : i32
    %dma_start3A_178 = tpu.memref_slice %arg1[%dma_start3A_175, %dma_start3A_176, %dma_start3A_177] : memref<4x3072x2048xf32, #tpu.memory_space<any>> -> memref<1x256x2048xf32, #tpu.memory_space<any>>
    %dma_start3A_179 = tpu.memref_squeeze %dma_start3A_178 : memref<1x256x2048xf32, #tpu.memory_space<any>> -> memref<256x2048xf32, #tpu.memory_space<any>>
    tpu.enqueue_dma source(%arg8 : memref<256x2048xf32, #tpu.memory_space<vmem>>) target(%dma_start3A_179 : memref<256x2048xf32, #tpu.memory_space<any>>) target_semaphore(%arg32 : memref<!tpu.dma_semaphore, #tpu.memory_space<semaphore_mem>>)
    %dma_start3A_180 = arith.constant 1 : i32
    %dma_start3A_181 = arith.constant 1536 : i32
    %dma_start3A_182 = arith.constant 0 : i32
    %dma_start3A_183 = tpu.memref_slice %arg1[%dma_start3A_180, %dma_start3A_181, %dma_start3A_182] : memref<4x3072x2048xf32, #tpu.memory_space<any>> -> memref<1x256x2048xf32, #tpu.memory_space<any>>
    %dma_start3A_184 = tpu.memref_squeeze %dma_start3A_183 : memref<1x256x2048xf32, #tpu.memory_space<any>> -> memref<256x2048xf32, #tpu.memory_space<any>>
    tpu.enqueue_dma source(%arg8 : memref<256x2048xf32, #tpu.memory_space<vmem>>) target(%dma_start3A_184 : memref<256x2048xf32, #tpu.memory_space<any>>) target_semaphore(%arg32 : memref<!tpu.dma_semaphore, #tpu.memory_space<semaphore_mem>>)
    %dma_start3A_185 = arith.constant 2 : i32
    %dma_start3A_186 = arith.constant 1536 : i32
    %dma_start3A_187 = arith.constant 0 : i32
    %dma_start3A_188 = tpu.memref_slice %arg1[%dma_start3A_185, %dma_start3A_186, %dma_start3A_187] : memref<4x3072x2048xf32, #tpu.memory_space<any>> -> memref<1x256x2048xf32, #tpu.memory_space<any>>
    %dma_start3A_189 = tpu.memref_squeeze %dma_start3A_188 : memref<1x256x2048xf32, #tpu.memory_space<any>> -> memref<256x2048xf32, #tpu.memory_space<any>>
    tpu.enqueue_dma source(%arg8 : memref<256x2048xf32, #tpu.memory_space<vmem>>) target(%dma_start3A_189 : memref<256x2048xf32, #tpu.memory_space<any>>) target_semaphore(%arg32 : memref<!tpu.dma_semaphore, #tpu.memory_space<semaphore_mem>>)
    %dma_start3A_190 = arith.constant 3 : i32
    %dma_start3A_191 = arith.constant 1536 : i32
    %dma_start3A_192 = arith.constant 0 : i32
    %dma_start3A_193 = tpu.memref_slice %arg1[%dma_start3A_190, %dma_start3A_191, %dma_start3A_192] : memref<4x3072x2048xf32, #tpu.memory_space<any>> -> memref<1x256x2048xf32, #tpu.memory_space<any>>
    %dma_start3A_194 = tpu.memref_squeeze %dma_start3A_193 : memref<1x256x2048xf32, #tpu.memory_space<any>> -> memref<256x2048xf32, #tpu.memory_space<any>>
    tpu.enqueue_dma source(%arg8 : memref<256x2048xf32, #tpu.memory_space<vmem>>) target(%dma_start3A_194 : memref<256x2048xf32, #tpu.memory_space<any>>) target_semaphore(%arg32 : memref<!tpu.dma_semaphore, #tpu.memory_space<semaphore_mem>>)
    %dma_wait3A_195 = arith.constant 1792 : i32
    %dma_wait3A_196 = arith.constant 0 : i32
    %dma_wait3A_197 = tpu.memref_slice %arg0[%dma_wait3A_195, %dma_wait3A_196] : memref<8192x2048xf32, #tpu.memory_space<any>> -> memref<256x2048xf32, #tpu.memory_space<any>>
    tpu.wait_dma2 semaphore(%arg21 : memref<!tpu.dma_semaphore, #tpu.memory_space<semaphore_mem>>) src(%dma_wait3A_197 : memref<256x2048xf32, #tpu.memory_space<any>>) dst(%arg9 : memref<256x2048xf32, #tpu.memory_space<vmem>>)
    %dma_start3A_198 = arith.constant 0 : i32
    %dma_start3A_199 = arith.constant 1792 : i32
    %dma_start3A_200 = arith.constant 0 : i32
    %dma_start3A_201 = tpu.memref_slice %arg1[%dma_start3A_198, %dma_start3A_199, %dma_start3A_200] : memref<4x3072x2048xf32, #tpu.memory_space<any>> -> memref<1x256x2048xf32, #tpu.memory_space<any>>
    %dma_start3A_202 = tpu.memref_squeeze %dma_start3A_201 : memref<1x256x2048xf32, #tpu.memory_space<any>> -> memref<256x2048xf32, #tpu.memory_space<any>>
    tpu.enqueue_dma source(%arg9 : memref<256x2048xf32, #tpu.memory_space<vmem>>) target(%dma_start3A_202 : memref<256x2048xf32, #tpu.memory_space<any>>) target_semaphore(%arg33 : memref<!tpu.dma_semaphore, #tpu.memory_space<semaphore_mem>>)
    %dma_start3A_203 = arith.constant 1 : i32
    %dma_start3A_204 = arith.constant 1792 : i32
    %dma_start3A_205 = arith.constant 0 : i32
    %dma_start3A_206 = tpu.memref_slice %arg1[%dma_start3A_203, %dma_start3A_204, %dma_start3A_205] : memref<4x3072x2048xf32, #tpu.memory_space<any>> -> memref<1x256x2048xf32, #tpu.memory_space<any>>
    %dma_start3A_207 = tpu.memref_squeeze %dma_start3A_206 : memref<1x256x2048xf32, #tpu.memory_space<any>> -> memref<256x2048xf32, #tpu.memory_space<any>>
    tpu.enqueue_dma source(%arg9 : memref<256x2048xf32, #tpu.memory_space<vmem>>) target(%dma_start3A_207 : memref<256x2048xf32, #tpu.memory_space<any>>) target_semaphore(%arg33 : memref<!tpu.dma_semaphore, #tpu.memory_space<semaphore_mem>>)
    %dma_start3A_208 = arith.constant 2 : i32
    %dma_start3A_209 = arith.constant 1792 : i32
    %dma_start3A_210 = arith.constant 0 : i32
    %dma_start3A_211 = tpu.memref_slice %arg1[%dma_start3A_208, %dma_start3A_209, %dma_start3A_210] : memref<4x3072x2048xf32, #tpu.memory_space<any>> -> memref<1x256x2048xf32, #tpu.memory_space<any>>
    %dma_start3A_212 = tpu.memref_squeeze %dma_start3A_211 : memref<1x256x2048xf32, #tpu.memory_space<any>> -> memref<256x2048xf32, #tpu.memory_space<any>>
    tpu.enqueue_dma source(%arg9 : memref<256x2048xf32, #tpu.memory_space<vmem>>) target(%dma_start3A_212 : memref<256x2048xf32, #tpu.memory_space<any>>) target_semaphore(%arg33 : memref<!tpu.dma_semaphore, #tpu.memory_space<semaphore_mem>>)
    %dma_start3A_213 = arith.constant 3 : i32
    %dma_start3A_214 = arith.constant 1792 : i32
    %dma_start3A_215 = arith.constant 0 : i32
    %dma_start3A_216 = tpu.memref_slice %arg1[%dma_start3A_213, %dma_start3A_214, %dma_start3A_215] : memref<4x3072x2048xf32, #tpu.memory_space<any>> -> memref<1x256x2048xf32, #tpu.memory_space<any>>
    %dma_start3A_217 = tpu.memref_squeeze %dma_start3A_216 : memref<1x256x2048xf32, #tpu.memory_space<any>> -> memref<256x2048xf32, #tpu.memory_space<any>>
    tpu.enqueue_dma source(%arg9 : memref<256x2048xf32, #tpu.memory_space<vmem>>) target(%dma_start3A_217 : memref<256x2048xf32, #tpu.memory_space<any>>) target_semaphore(%arg33 : memref<!tpu.dma_semaphore, #tpu.memory_space<semaphore_mem>>)
    %dma_wait3A_218 = arith.constant 2048 : i32
    %dma_wait3A_219 = arith.constant 0 : i32
    %dma_wait3A_220 = tpu.memref_slice %arg0[%dma_wait3A_218, %dma_wait3A_219] : memref<8192x2048xf32, #tpu.memory_space<any>> -> memref<256x2048xf32, #tpu.memory_space<any>>
    tpu.wait_dma2 semaphore(%arg22 : memref<!tpu.dma_semaphore, #tpu.memory_space<semaphore_mem>>) src(%dma_wait3A_220 : memref<256x2048xf32, #tpu.memory_space<any>>) dst(%arg10 : memref<256x2048xf32, #tpu.memory_space<vmem>>)
    %dma_start3A_221 = arith.constant 0 : i32
    %dma_start3A_222 = arith.constant 2048 : i32
    %dma_start3A_223 = arith.constant 0 : i32
    %dma_start3A_224 = tpu.memref_slice %arg1[%dma_start3A_221, %dma_start3A_222, %dma_start3A_223] : memref<4x3072x2048xf32, #tpu.memory_space<any>> -> memref<1x256x2048xf32, #tpu.memory_space<any>>
    %dma_start3A_225 = tpu.memref_squeeze %dma_start3A_224 : memref<1x256x2048xf32, #tpu.memory_space<any>> -> memref<256x2048xf32, #tpu.memory_space<any>>
    tpu.enqueue_dma source(%arg10 : memref<256x2048xf32, #tpu.memory_space<vmem>>) target(%dma_start3A_225 : memref<256x2048xf32, #tpu.memory_space<any>>) target_semaphore(%arg34 : memref<!tpu.dma_semaphore, #tpu.memory_space<semaphore_mem>>)
    %dma_start3A_226 = arith.constant 1 : i32
    %dma_start3A_227 = arith.constant 2048 : i32
    %dma_start3A_228 = arith.constant 0 : i32
    %dma_start3A_229 = tpu.memref_slice %arg1[%dma_start3A_226, %dma_start3A_227, %dma_start3A_228] : memref<4x3072x2048xf32, #tpu.memory_space<any>> -> memref<1x256x2048xf32, #tpu.memory_space<any>>
    %dma_start3A_230 = tpu.memref_squeeze %dma_start3A_229 : memref<1x256x2048xf32, #tpu.memory_space<any>> -> memref<256x2048xf32, #tpu.memory_space<any>>
    tpu.enqueue_dma source(%arg10 : memref<256x2048xf32, #tpu.memory_space<vmem>>) target(%dma_start3A_230 : memref<256x2048xf32, #tpu.memory_space<any>>) target_semaphore(%arg34 : memref<!tpu.dma_semaphore, #tpu.memory_space<semaphore_mem>>)
    %dma_start3A_231 = arith.constant 2 : i32
    %dma_start3A_232 = arith.constant 2048 : i32
    %dma_start3A_233 = arith.constant 0 : i32
    %dma_start3A_234 = tpu.memref_slice %arg1[%dma_start3A_231, %dma_start3A_232, %dma_start3A_233] : memref<4x3072x2048xf32, #tpu.memory_space<any>> -> memref<1x256x2048xf32, #tpu.memory_space<any>>
    %dma_start3A_235 = tpu.memref_squeeze %dma_start3A_234 : memref<1x256x2048xf32, #tpu.memory_space<any>> -> memref<256x2048xf32, #tpu.memory_space<any>>
    tpu.enqueue_dma source(%arg10 : memref<256x2048xf32, #tpu.memory_space<vmem>>) target(%dma_start3A_235 : memref<256x2048xf32, #tpu.memory_space<any>>) target_semaphore(%arg34 : memref<!tpu.dma_semaphore, #tpu.memory_space<semaphore_mem>>)
    %dma_start3A_236 = arith.constant 3 : i32
    %dma_start3A_237 = arith.constant 2048 : i32
    %dma_start3A_238 = arith.constant 0 : i32
    %dma_start3A_239 = tpu.memref_slice %arg1[%dma_start3A_236, %dma_start3A_237, %dma_start3A_238] : memref<4x3072x2048xf32, #tpu.memory_space<any>> -> memref<1x256x2048xf32, #tpu.memory_space<any>>
    %dma_start3A_240 = tpu.memref_squeeze %dma_start3A_239 : memref<1x256x2048xf32, #tpu.memory_space<any>> -> memref<256x2048xf32, #tpu.memory_space<any>>
    tpu.enqueue_dma source(%arg10 : memref<256x2048xf32, #tpu.memory_space<vmem>>) target(%dma_start3A_240 : memref<256x2048xf32, #tpu.memory_space<any>>) target_semaphore(%arg34 : memref<!tpu.dma_semaphore, #tpu.memory_space<semaphore_mem>>)
    %dma_wait3A_241 = arith.constant 2304 : i32
    %dma_wait3A_242 = arith.constant 0 : i32
    %dma_wait3A_243 = tpu.memref_slice %arg0[%dma_wait3A_241, %dma_wait3A_242] : memref<8192x2048xf32, #tpu.memory_space<any>> -> memref<256x2048xf32, #tpu.memory_space<any>>
    tpu.wait_dma2 semaphore(%arg23 : memref<!tpu.dma_semaphore, #tpu.memory_space<semaphore_mem>>) src(%dma_wait3A_243 : memref<256x2048xf32, #tpu.memory_space<any>>) dst(%arg11 : memref<256x2048xf32, #tpu.memory_space<vmem>>)
    %dma_start3A_244 = arith.constant 0 : i32
    %dma_start3A_245 = arith.constant 2304 : i32
    %dma_start3A_246 = arith.constant 0 : i32
    %dma_start3A_247 = tpu.memref_slice %arg1[%dma_start3A_244, %dma_start3A_245, %dma_start3A_246] : memref<4x3072x2048xf32, #tpu.memory_space<any>> -> memref<1x256x2048xf32, #tpu.memory_space<any>>
    %dma_start3A_248 = tpu.memref_squeeze %dma_start3A_247 : memref<1x256x2048xf32, #tpu.memory_space<any>> -> memref<256x2048xf32, #tpu.memory_space<any>>
    tpu.enqueue_dma source(%arg11 : memref<256x2048xf32, #tpu.memory_space<vmem>>) target(%dma_start3A_248 : memref<256x2048xf32, #tpu.memory_space<any>>) target_semaphore(%arg35 : memref<!tpu.dma_semaphore, #tpu.memory_space<semaphore_mem>>)
    %dma_start3A_249 = arith.constant 1 : i32
    %dma_start3A_250 = arith.constant 2304 : i32
    %dma_start3A_251 = arith.constant 0 : i32
    %dma_start3A_252 = tpu.memref_slice %arg1[%dma_start3A_249, %dma_start3A_250, %dma_start3A_251] : memref<4x3072x2048xf32, #tpu.memory_space<any>> -> memref<1x256x2048xf32, #tpu.memory_space<any>>
    %dma_start3A_253 = tpu.memref_squeeze %dma_start3A_252 : memref<1x256x2048xf32, #tpu.memory_space<any>> -> memref<256x2048xf32, #tpu.memory_space<any>>
    tpu.enqueue_dma source(%arg11 : memref<256x2048xf32, #tpu.memory_space<vmem>>) target(%dma_start3A_253 : memref<256x2048xf32, #tpu.memory_space<any>>) target_semaphore(%arg35 : memref<!tpu.dma_semaphore, #tpu.memory_space<semaphore_mem>>)
    %dma_start3A_254 = arith.constant 2 : i32
    %dma_start3A_255 = arith.constant 2304 : i32
    %dma_start3A_256 = arith.constant 0 : i32
    %dma_start3A_257 = tpu.memref_slice %arg1[%dma_start3A_254, %dma_start3A_255, %dma_start3A_256] : memref<4x3072x2048xf32, #tpu.memory_space<any>> -> memref<1x256x2048xf32, #tpu.memory_space<any>>
    %dma_start3A_258 = tpu.memref_squeeze %dma_start3A_257 : memref<1x256x2048xf32, #tpu.memory_space<any>> -> memref<256x2048xf32, #tpu.memory_space<any>>
    tpu.enqueue_dma source(%arg11 : memref<256x2048xf32, #tpu.memory_space<vmem>>) target(%dma_start3A_258 : memref<256x2048xf32, #tpu.memory_space<any>>) target_semaphore(%arg35 : memref<!tpu.dma_semaphore, #tpu.memory_space<semaphore_mem>>)
    %dma_start3A_259 = arith.constant 3 : i32
    %dma_start3A_260 = arith.constant 2304 : i32
    %dma_start3A_261 = arith.constant 0 : i32
    %dma_start3A_262 = tpu.memref_slice %arg1[%dma_start3A_259, %dma_start3A_260, %dma_start3A_261] : memref<4x3072x2048xf32, #tpu.memory_space<any>> -> memref<1x256x2048xf32, #tpu.memory_space<any>>
    %dma_start3A_263 = tpu.memref_squeeze %dma_start3A_262 : memref<1x256x2048xf32, #tpu.memory_space<any>> -> memref<256x2048xf32, #tpu.memory_space<any>>
    tpu.enqueue_dma source(%arg11 : memref<256x2048xf32, #tpu.memory_space<vmem>>) target(%dma_start3A_263 : memref<256x2048xf32, #tpu.memory_space<any>>) target_semaphore(%arg35 : memref<!tpu.dma_semaphore, #tpu.memory_space<semaphore_mem>>)
    %dma_wait3A_264 = arith.constant 2560 : i32
    %dma_wait3A_265 = arith.constant 0 : i32
    %dma_wait3A_266 = tpu.memref_slice %arg0[%dma_wait3A_264, %dma_wait3A_265] : memref<8192x2048xf32, #tpu.memory_space<any>> -> memref<256x2048xf32, #tpu.memory_space<any>>
    tpu.wait_dma2 semaphore(%arg24 : memref<!tpu.dma_semaphore, #tpu.memory_space<semaphore_mem>>) src(%dma_wait3A_266 : memref<256x2048xf32, #tpu.memory_space<any>>) dst(%arg12 : memref<256x2048xf32, #tpu.memory_space<vmem>>)
    %dma_start3A_267 = arith.constant 0 : i32
    %dma_start3A_268 = arith.constant 2560 : i32
    %dma_start3A_269 = arith.constant 0 : i32
    %dma_start3A_270 = tpu.memref_slice %arg1[%dma_start3A_267, %dma_start3A_268, %dma_start3A_269] : memref<4x3072x2048xf32, #tpu.memory_space<any>> -> memref<1x256x2048xf32, #tpu.memory_space<any>>
    %dma_start3A_271 = tpu.memref_squeeze %dma_start3A_270 : memref<1x256x2048xf32, #tpu.memory_space<any>> -> memref<256x2048xf32, #tpu.memory_space<any>>
    tpu.enqueue_dma source(%arg12 : memref<256x2048xf32, #tpu.memory_space<vmem>>) target(%dma_start3A_271 : memref<256x2048xf32, #tpu.memory_space<any>>) target_semaphore(%arg36 : memref<!tpu.dma_semaphore, #tpu.memory_space<semaphore_mem>>)
    %dma_start3A_272 = arith.constant 1 : i32
    %dma_start3A_273 = arith.constant 2560 : i32
    %dma_start3A_274 = arith.constant 0 : i32
    %dma_start3A_275 = tpu.memref_slice %arg1[%dma_start3A_272, %dma_start3A_273, %dma_start3A_274] : memref<4x3072x2048xf32, #tpu.memory_space<any>> -> memref<1x256x2048xf32, #tpu.memory_space<any>>
    %dma_start3A_276 = tpu.memref_squeeze %dma_start3A_275 : memref<1x256x2048xf32, #tpu.memory_space<any>> -> memref<256x2048xf32, #tpu.memory_space<any>>
    tpu.enqueue_dma source(%arg12 : memref<256x2048xf32, #tpu.memory_space<vmem>>) target(%dma_start3A_276 : memref<256x2048xf32, #tpu.memory_space<any>>) target_semaphore(%arg36 : memref<!tpu.dma_semaphore, #tpu.memory_space<semaphore_mem>>)
    %dma_start3A_277 = arith.constant 2 : i32
    %dma_start3A_278 = arith.constant 2560 : i32
    %dma_start3A_279 = arith.constant 0 : i32
    %dma_start3A_280 = tpu.memref_slice %arg1[%dma_start3A_277, %dma_start3A_278, %dma_start3A_279] : memref<4x3072x2048xf32, #tpu.memory_space<any>> -> memref<1x256x2048xf32, #tpu.memory_space<any>>
    %dma_start3A_281 = tpu.memref_squeeze %dma_start3A_280 : memref<1x256x2048xf32, #tpu.memory_space<any>> -> memref<256x2048xf32, #tpu.memory_space<any>>
    tpu.enqueue_dma source(%arg12 : memref<256x2048xf32, #tpu.memory_space<vmem>>) target(%dma_start3A_281 : memref<256x2048xf32, #tpu.memory_space<any>>) target_semaphore(%arg36 : memref<!tpu.dma_semaphore, #tpu.memory_space<semaphore_mem>>)
    %dma_start3A_282 = arith.constant 3 : i32
    %dma_start3A_283 = arith.constant 2560 : i32
    %dma_start3A_284 = arith.constant 0 : i32
    %dma_start3A_285 = tpu.memref_slice %arg1[%dma_start3A_282, %dma_start3A_283, %dma_start3A_284] : memref<4x3072x2048xf32, #tpu.memory_space<any>> -> memref<1x256x2048xf32, #tpu.memory_space<any>>
    %dma_start3A_286 = tpu.memref_squeeze %dma_start3A_285 : memref<1x256x2048xf32, #tpu.memory_space<any>> -> memref<256x2048xf32, #tpu.memory_space<any>>
    tpu.enqueue_dma source(%arg12 : memref<256x2048xf32, #tpu.memory_space<vmem>>) target(%dma_start3A_286 : memref<256x2048xf32, #tpu.memory_space<any>>) target_semaphore(%arg36 : memref<!tpu.dma_semaphore, #tpu.memory_space<semaphore_mem>>)
    %dma_wait3A_287 = arith.constant 2816 : i32
    %dma_wait3A_288 = arith.constant 0 : i32
    %dma_wait3A_289 = tpu.memref_slice %arg0[%dma_wait3A_287, %dma_wait3A_288] : memref<8192x2048xf32, #tpu.memory_space<any>> -> memref<256x2048xf32, #tpu.memory_space<any>>
    tpu.wait_dma2 semaphore(%arg25 : memref<!tpu.dma_semaphore, #tpu.memory_space<semaphore_mem>>) src(%dma_wait3A_289 : memref<256x2048xf32, #tpu.memory_space<any>>) dst(%arg13 : memref<256x2048xf32, #tpu.memory_space<vmem>>)
    %dma_start3A_290 = arith.constant 0 : i32
    %dma_start3A_291 = arith.constant 2816 : i32
    %dma_start3A_292 = arith.constant 0 : i32
    %dma_start3A_293 = tpu.memref_slice %arg1[%dma_start3A_290, %dma_start3A_291, %dma_start3A_292] : memref<4x3072x2048xf32, #tpu.memory_space<any>> -> memref<1x256x2048xf32, #tpu.memory_space<any>>
    %dma_start3A_294 = tpu.memref_squeeze %dma_start3A_293 : memref<1x256x2048xf32, #tpu.memory_space<any>> -> memref<256x2048xf32, #tpu.memory_space<any>>
    tpu.enqueue_dma source(%arg13 : memref<256x2048xf32, #tpu.memory_space<vmem>>) target(%dma_start3A_294 : memref<256x2048xf32, #tpu.memory_space<any>>) target_semaphore(%arg37 : memref<!tpu.dma_semaphore, #tpu.memory_space<semaphore_mem>>)
    %dma_start3A_295 = arith.constant 1 : i32
    %dma_start3A_296 = arith.constant 2816 : i32
    %dma_start3A_297 = arith.constant 0 : i32
    %dma_start3A_298 = tpu.memref_slice %arg1[%dma_start3A_295, %dma_start3A_296, %dma_start3A_297] : memref<4x3072x2048xf32, #tpu.memory_space<any>> -> memref<1x256x2048xf32, #tpu.memory_space<any>>
    %dma_start3A_299 = tpu.memref_squeeze %dma_start3A_298 : memref<1x256x2048xf32, #tpu.memory_space<any>> -> memref<256x2048xf32, #tpu.memory_space<any>>
    tpu.enqueue_dma source(%arg13 : memref<256x2048xf32, #tpu.memory_space<vmem>>) target(%dma_start3A_299 : memref<256x2048xf32, #tpu.memory_space<any>>) target_semaphore(%arg37 : memref<!tpu.dma_semaphore, #tpu.memory_space<semaphore_mem>>)
    %dma_start3A_300 = arith.constant 2 : i32
    %dma_start3A_301 = arith.constant 2816 : i32
    %dma_start3A_302 = arith.constant 0 : i32
    %dma_start3A_303 = tpu.memref_slice %arg1[%dma_start3A_300, %dma_start3A_301, %dma_start3A_302] : memref<4x3072x2048xf32, #tpu.memory_space<any>> -> memref<1x256x2048xf32, #tpu.memory_space<any>>
    %dma_start3A_304 = tpu.memref_squeeze %dma_start3A_303 : memref<1x256x2048xf32, #tpu.memory_space<any>> -> memref<256x2048xf32, #tpu.memory_space<any>>
    tpu.enqueue_dma source(%arg13 : memref<256x2048xf32, #tpu.memory_space<vmem>>) target(%dma_start3A_304 : memref<256x2048xf32, #tpu.memory_space<any>>) target_semaphore(%arg37 : memref<!tpu.dma_semaphore, #tpu.memory_space<semaphore_mem>>)
    %dma_start3A_305 = arith.constant 3 : i32
    %dma_start3A_306 = arith.constant 2816 : i32
    %dma_start3A_307 = arith.constant 0 : i32
    %dma_start3A_308 = tpu.memref_slice %arg1[%dma_start3A_305, %dma_start3A_306, %dma_start3A_307] : memref<4x3072x2048xf32, #tpu.memory_space<any>> -> memref<1x256x2048xf32, #tpu.memory_space<any>>
    %dma_start3A_309 = tpu.memref_squeeze %dma_start3A_308 : memref<1x256x2048xf32, #tpu.memory_space<any>> -> memref<256x2048xf32, #tpu.memory_space<any>>
    tpu.enqueue_dma source(%arg13 : memref<256x2048xf32, #tpu.memory_space<vmem>>) target(%dma_start3A_309 : memref<256x2048xf32, #tpu.memory_space<any>>) target_semaphore(%arg37 : memref<!tpu.dma_semaphore, #tpu.memory_space<semaphore_mem>>)
    %dma_wait3A_310 = arith.constant 0 : i32
    %dma_wait3A_311 = arith.constant 0 : i32
    %dma_wait3A_312 = arith.constant 0 : i32
    %dma_wait3A_313 = tpu.memref_slice %arg1[%dma_wait3A_310, %dma_wait3A_311, %dma_wait3A_312] : memref<4x3072x2048xf32, #tpu.memory_space<any>> -> memref<1x256x2048xf32, #tpu.memory_space<any>>
    %dma_wait3A_314 = tpu.memref_squeeze %dma_wait3A_313 : memref<1x256x2048xf32, #tpu.memory_space<any>> -> memref<256x2048xf32, #tpu.memory_space<any>>
    tpu.wait_dma2 semaphore(%arg26 : memref<!tpu.dma_semaphore, #tpu.memory_space<semaphore_mem>>) src(%arg2 : memref<256x2048xf32, #tpu.memory_space<vmem>>) dst(%dma_wait3A_314 : memref<256x2048xf32, #tpu.memory_space<any>>)
    %dma_wait3A_315 = arith.constant 1 : i32
    %dma_wait3A_316 = arith.constant 0 : i32
    %dma_wait3A_317 = arith.constant 0 : i32
    %dma_wait3A_318 = tpu.memref_slice %arg1[%dma_wait3A_315, %dma_wait3A_316, %dma_wait3A_317] : memref<4x3072x2048xf32, #tpu.memory_space<any>> -> memref<1x256x2048xf32, #tpu.memory_space<any>>
    %dma_wait3A_319 = tpu.memref_squeeze %dma_wait3A_318 : memref<1x256x2048xf32, #tpu.memory_space<any>> -> memref<256x2048xf32, #tpu.memory_space<any>>
    tpu.wait_dma2 semaphore(%arg26 : memref<!tpu.dma_semaphore, #tpu.memory_space<semaphore_mem>>) src(%arg2 : memref<256x2048xf32, #tpu.memory_space<vmem>>) dst(%dma_wait3A_319 : memref<256x2048xf32, #tpu.memory_space<any>>)
    %dma_wait3A_320 = arith.constant 2 : i32
    %dma_wait3A_321 = arith.constant 0 : i32
    %dma_wait3A_322 = arith.constant 0 : i32
    %dma_wait3A_323 = tpu.memref_slice %arg1[%dma_wait3A_320, %dma_wait3A_321, %dma_wait3A_322] : memref<4x3072x2048xf32, #tpu.memory_space<any>> -> memref<1x256x2048xf32, #tpu.memory_space<any>>
    %dma_wait3A_324 = tpu.memref_squeeze %dma_wait3A_323 : memref<1x256x2048xf32, #tpu.memory_space<any>> -> memref<256x2048xf32, #tpu.memory_space<any>>
    tpu.wait_dma2 semaphore(%arg26 : memref<!tpu.dma_semaphore, #tpu.memory_space<semaphore_mem>>) src(%arg2 : memref<256x2048xf32, #tpu.memory_space<vmem>>) dst(%dma_wait3A_324 : memref<256x2048xf32, #tpu.memory_space<any>>)
    %dma_wait3A_325 = arith.constant 3 : i32
    %dma_wait3A_326 = arith.constant 0 : i32
    %dma_wait3A_327 = arith.constant 0 : i32
    %dma_wait3A_328 = tpu.memref_slice %arg1[%dma_wait3A_325, %dma_wait3A_326, %dma_wait3A_327] : memref<4x3072x2048xf32, #tpu.memory_space<any>> -> memref<1x256x2048xf32, #tpu.memory_space<any>>
    %dma_wait3A_329 = tpu.memref_squeeze %dma_wait3A_328 : memref<1x256x2048xf32, #tpu.memory_space<any>> -> memref<256x2048xf32, #tpu.memory_space<any>>
    tpu.wait_dma2 semaphore(%arg26 : memref<!tpu.dma_semaphore, #tpu.memory_space<semaphore_mem>>) src(%arg2 : memref<256x2048xf32, #tpu.memory_space<vmem>>) dst(%dma_wait3A_329 : memref<256x2048xf32, #tpu.memory_space<any>>)
    %dma_wait3A_330 = arith.constant 0 : i32
    %dma_wait3A_331 = arith.constant 256 : i32
    %dma_wait3A_332 = arith.constant 0 : i32
    %dma_wait3A_333 = tpu.memref_slice %arg1[%dma_wait3A_330, %dma_wait3A_331, %dma_wait3A_332] : memref<4x3072x2048xf32, #tpu.memory_space<any>> -> memref<1x256x2048xf32, #tpu.memory_space<any>>
    %dma_wait3A_334 = tpu.memref_squeeze %dma_wait3A_333 : memref<1x256x2048xf32, #tpu.memory_space<any>> -> memref<256x2048xf32, #tpu.memory_space<any>>
    tpu.wait_dma2 semaphore(%arg27 : memref<!tpu.dma_semaphore, #tpu.memory_space<semaphore_mem>>) src(%arg3 : memref<256x2048xf32, #tpu.memory_space<vmem>>) dst(%dma_wait3A_334 : memref<256x2048xf32, #tpu.memory_space<any>>)
    %dma_wait3A_335 = arith.constant 1 : i32
    %dma_wait3A_336 = arith.constant 256 : i32
    %dma_wait3A_337 = arith.constant 0 : i32
    %dma_wait3A_338 = tpu.memref_slice %arg1[%dma_wait3A_335, %dma_wait3A_336, %dma_wait3A_337] : memref<4x3072x2048xf32, #tpu.memory_space<any>> -> memref<1x256x2048xf32, #tpu.memory_space<any>>
    %dma_wait3A_339 = tpu.memref_squeeze %dma_wait3A_338 : memref<1x256x2048xf32, #tpu.memory_space<any>> -> memref<256x2048xf32, #tpu.memory_space<any>>
    tpu.wait_dma2 semaphore(%arg27 : memref<!tpu.dma_semaphore, #tpu.memory_space<semaphore_mem>>) src(%arg3 : memref<256x2048xf32, #tpu.memory_space<vmem>>) dst(%dma_wait3A_339 : memref<256x2048xf32, #tpu.memory_space<any>>)
    %dma_wait3A_340 = arith.constant 2 : i32
    %dma_wait3A_341 = arith.constant 256 : i32
    %dma_wait3A_342 = arith.constant 0 : i32
    %dma_wait3A_343 = tpu.memref_slice %arg1[%dma_wait3A_340, %dma_wait3A_341, %dma_wait3A_342] : memref<4x3072x2048xf32, #tpu.memory_space<any>> -> memref<1x256x2048xf32, #tpu.memory_space<any>>
    %dma_wait3A_344 = tpu.memref_squeeze %dma_wait3A_343 : memref<1x256x2048xf32, #tpu.memory_space<any>> -> memref<256x2048xf32, #tpu.memory_space<any>>
    tpu.wait_dma2 semaphore(%arg27 : memref<!tpu.dma_semaphore, #tpu.memory_space<semaphore_mem>>) src(%arg3 : memref<256x2048xf32, #tpu.memory_space<vmem>>) dst(%dma_wait3A_344 : memref<256x2048xf32, #tpu.memory_space<any>>)
    %dma_wait3A_345 = arith.constant 3 : i32
    %dma_wait3A_346 = arith.constant 256 : i32
    %dma_wait3A_347 = arith.constant 0 : i32
    %dma_wait3A_348 = tpu.memref_slice %arg1[%dma_wait3A_345, %dma_wait3A_346, %dma_wait3A_347] : memref<4x3072x2048xf32, #tpu.memory_space<any>> -> memref<1x256x2048xf32, #tpu.memory_space<any>>
    %dma_wait3A_349 = tpu.memref_squeeze %dma_wait3A_348 : memref<1x256x2048xf32, #tpu.memory_space<any>> -> memref<256x2048xf32, #tpu.memory_space<any>>
    tpu.wait_dma2 semaphore(%arg27 : memref<!tpu.dma_semaphore, #tpu.memory_space<semaphore_mem>>) src(%arg3 : memref<256x2048xf32, #tpu.memory_space<vmem>>) dst(%dma_wait3A_349 : memref<256x2048xf32, #tpu.memory_space<any>>)
    %dma_wait3A_350 = arith.constant 0 : i32
    %dma_wait3A_351 = arith.constant 512 : i32
    %dma_wait3A_352 = arith.constant 0 : i32
    %dma_wait3A_353 = tpu.memref_slice %arg1[%dma_wait3A_350, %dma_wait3A_351, %dma_wait3A_352] : memref<4x3072x2048xf32, #tpu.memory_space<any>> -> memref<1x256x2048xf32, #tpu.memory_space<any>>
    %dma_wait3A_354 = tpu.memref_squeeze %dma_wait3A_353 : memref<1x256x2048xf32, #tpu.memory_space<any>> -> memref<256x2048xf32, #tpu.memory_space<any>>
    tpu.wait_dma2 semaphore(%arg28 : memref<!tpu.dma_semaphore, #tpu.memory_space<semaphore_mem>>) src(%arg4 : memref<256x2048xf32, #tpu.memory_space<vmem>>) dst(%dma_wait3A_354 : memref<256x2048xf32, #tpu.memory_space<any>>)
    %dma_wait3A_355 = arith.constant 1 : i32
    %dma_wait3A_356 = arith.constant 512 : i32
    %dma_wait3A_357 = arith.constant 0 : i32
    %dma_wait3A_358 = tpu.memref_slice %arg1[%dma_wait3A_355, %dma_wait3A_356, %dma_wait3A_357] : memref<4x3072x2048xf32, #tpu.memory_space<any>> -> memref<1x256x2048xf32, #tpu.memory_space<any>>
    %dma_wait3A_359 = tpu.memref_squeeze %dma_wait3A_358 : memref<1x256x2048xf32, #tpu.memory_space<any>> -> memref<256x2048xf32, #tpu.memory_space<any>>
    tpu.wait_dma2 semaphore(%arg28 : memref<!tpu.dma_semaphore, #tpu.memory_space<semaphore_mem>>) src(%arg4 : memref<256x2048xf32, #tpu.memory_space<vmem>>) dst(%dma_wait3A_359 : memref<256x2048xf32, #tpu.memory_space<any>>)
    %dma_wait3A_360 = arith.constant 2 : i32
    %dma_wait3A_361 = arith.constant 512 : i32
    %dma_wait3A_362 = arith.constant 0 : i32
    %dma_wait3A_363 = tpu.memref_slice %arg1[%dma_wait3A_360, %dma_wait3A_361, %dma_wait3A_362] : memref<4x3072x2048xf32, #tpu.memory_space<any>> -> memref<1x256x2048xf32, #tpu.memory_space<any>>
    %dma_wait3A_364 = tpu.memref_squeeze %dma_wait3A_363 : memref<1x256x2048xf32, #tpu.memory_space<any>> -> memref<256x2048xf32, #tpu.memory_space<any>>
    tpu.wait_dma2 semaphore(%arg28 : memref<!tpu.dma_semaphore, #tpu.memory_space<semaphore_mem>>) src(%arg4 : memref<256x2048xf32, #tpu.memory_space<vmem>>) dst(%dma_wait3A_364 : memref<256x2048xf32, #tpu.memory_space<any>>)
    %dma_wait3A_365 = arith.constant 3 : i32
    %dma_wait3A_366 = arith.constant 512 : i32
    %dma_wait3A_367 = arith.constant 0 : i32
    %dma_wait3A_368 = tpu.memref_slice %arg1[%dma_wait3A_365, %dma_wait3A_366, %dma_wait3A_367] : memref<4x3072x2048xf32, #tpu.memory_space<any>> -> memref<1x256x2048xf32, #tpu.memory_space<any>>
    %dma_wait3A_369 = tpu.memref_squeeze %dma_wait3A_368 : memref<1x256x2048xf32, #tpu.memory_space<any>> -> memref<256x2048xf32, #tpu.memory_space<any>>
    tpu.wait_dma2 semaphore(%arg28 : memref<!tpu.dma_semaphore, #tpu.memory_space<semaphore_mem>>) src(%arg4 : memref<256x2048xf32, #tpu.memory_space<vmem>>) dst(%dma_wait3A_369 : memref<256x2048xf32, #tpu.memory_space<any>>)
    %dma_wait3A_370 = arith.constant 0 : i32
    %dma_wait3A_371 = arith.constant 768 : i32
    %dma_wait3A_372 = arith.constant 0 : i32
    %dma_wait3A_373 = tpu.memref_slice %arg1[%dma_wait3A_370, %dma_wait3A_371, %dma_wait3A_372] : memref<4x3072x2048xf32, #tpu.memory_space<any>> -> memref<1x256x2048xf32, #tpu.memory_space<any>>
    %dma_wait3A_374 = tpu.memref_squeeze %dma_wait3A_373 : memref<1x256x2048xf32, #tpu.memory_space<any>> -> memref<256x2048xf32, #tpu.memory_space<any>>
    tpu.wait_dma2 semaphore(%arg29 : memref<!tpu.dma_semaphore, #tpu.memory_space<semaphore_mem>>) src(%arg5 : memref<256x2048xf32, #tpu.memory_space<vmem>>) dst(%dma_wait3A_374 : memref<256x2048xf32, #tpu.memory_space<any>>)
    %dma_wait3A_375 = arith.constant 1 : i32
    %dma_wait3A_376 = arith.constant 768 : i32
    %dma_wait3A_377 = arith.constant 0 : i32
    %dma_wait3A_378 = tpu.memref_slice %arg1[%dma_wait3A_375, %dma_wait3A_376, %dma_wait3A_377] : memref<4x3072x2048xf32, #tpu.memory_space<any>> -> memref<1x256x2048xf32, #tpu.memory_space<any>>
    %dma_wait3A_379 = tpu.memref_squeeze %dma_wait3A_378 : memref<1x256x2048xf32, #tpu.memory_space<any>> -> memref<256x2048xf32, #tpu.memory_space<any>>
    tpu.wait_dma2 semaphore(%arg29 : memref<!tpu.dma_semaphore, #tpu.memory_space<semaphore_mem>>) src(%arg5 : memref<256x2048xf32, #tpu.memory_space<vmem>>) dst(%dma_wait3A_379 : memref<256x2048xf32, #tpu.memory_space<any>>)
    %dma_wait3A_380 = arith.constant 2 : i32
    %dma_wait3A_381 = arith.constant 768 : i32
    %dma_wait3A_382 = arith.constant 0 : i32
    %dma_wait3A_383 = tpu.memref_slice %arg1[%dma_wait3A_380, %dma_wait3A_381, %dma_wait3A_382] : memref<4x3072x2048xf32, #tpu.memory_space<any>> -> memref<1x256x2048xf32, #tpu.memory_space<any>>
    %dma_wait3A_384 = tpu.memref_squeeze %dma_wait3A_383 : memref<1x256x2048xf32, #tpu.memory_space<any>> -> memref<256x2048xf32, #tpu.memory_space<any>>
    tpu.wait_dma2 semaphore(%arg29 : memref<!tpu.dma_semaphore, #tpu.memory_space<semaphore_mem>>) src(%arg5 : memref<256x2048xf32, #tpu.memory_space<vmem>>) dst(%dma_wait3A_384 : memref<256x2048xf32, #tpu.memory_space<any>>)
    %dma_wait3A_385 = arith.constant 3 : i32
    %dma_wait3A_386 = arith.constant 768 : i32
    %dma_wait3A_387 = arith.constant 0 : i32
    %dma_wait3A_388 = tpu.memref_slice %arg1[%dma_wait3A_385, %dma_wait3A_386, %dma_wait3A_387] : memref<4x3072x2048xf32, #tpu.memory_space<any>> -> memref<1x256x2048xf32, #tpu.memory_space<any>>
    %dma_wait3A_389 = tpu.memref_squeeze %dma_wait3A_388 : memref<1x256x2048xf32, #tpu.memory_space<any>> -> memref<256x2048xf32, #tpu.memory_space<any>>
    tpu.wait_dma2 semaphore(%arg29 : memref<!tpu.dma_semaphore, #tpu.memory_space<semaphore_mem>>) src(%arg5 : memref<256x2048xf32, #tpu.memory_space<vmem>>) dst(%dma_wait3A_389 : memref<256x2048xf32, #tpu.memory_space<any>>)
    %dma_wait3A_390 = arith.constant 0 : i32
    %dma_wait3A_391 = arith.constant 1024 : i32
    %dma_wait3A_392 = arith.constant 0 : i32
    %dma_wait3A_393 = tpu.memref_slice %arg1[%dma_wait3A_390, %dma_wait3A_391, %dma_wait3A_392] : memref<4x3072x2048xf32, #tpu.memory_space<any>> -> memref<1x256x2048xf32, #tpu.memory_space<any>>
    %dma_wait3A_394 = tpu.memref_squeeze %dma_wait3A_393 : memref<1x256x2048xf32, #tpu.memory_space<any>> -> memref<256x2048xf32, #tpu.memory_space<any>>
    tpu.wait_dma2 semaphore(%arg30 : memref<!tpu.dma_semaphore, #tpu.memory_space<semaphore_mem>>) src(%arg6 : memref<256x2048xf32, #tpu.memory_space<vmem>>) dst(%dma_wait3A_394 : memref<256x2048xf32, #tpu.memory_space<any>>)
    %dma_wait3A_395 = arith.constant 1 : i32
    %dma_wait3A_396 = arith.constant 1024 : i32
    %dma_wait3A_397 = arith.constant 0 : i32
    %dma_wait3A_398 = tpu.memref_slice %arg1[%dma_wait3A_395, %dma_wait3A_396, %dma_wait3A_397] : memref<4x3072x2048xf32, #tpu.memory_space<any>> -> memref<1x256x2048xf32, #tpu.memory_space<any>>
    %dma_wait3A_399 = tpu.memref_squeeze %dma_wait3A_398 : memref<1x256x2048xf32, #tpu.memory_space<any>> -> memref<256x2048xf32, #tpu.memory_space<any>>
    tpu.wait_dma2 semaphore(%arg30 : memref<!tpu.dma_semaphore, #tpu.memory_space<semaphore_mem>>) src(%arg6 : memref<256x2048xf32, #tpu.memory_space<vmem>>) dst(%dma_wait3A_399 : memref<256x2048xf32, #tpu.memory_space<any>>)
    %dma_wait3A_400 = arith.constant 2 : i32
    %dma_wait3A_401 = arith.constant 1024 : i32
    %dma_wait3A_402 = arith.constant 0 : i32
    %dma_wait3A_403 = tpu.memref_slice %arg1[%dma_wait3A_400, %dma_wait3A_401, %dma_wait3A_402] : memref<4x3072x2048xf32, #tpu.memory_space<any>> -> memref<1x256x2048xf32, #tpu.memory_space<any>>
    %dma_wait3A_404 = tpu.memref_squeeze %dma_wait3A_403 : memref<1x256x2048xf32, #tpu.memory_space<any>> -> memref<256x2048xf32, #tpu.memory_space<any>>
    tpu.wait_dma2 semaphore(%arg30 : memref<!tpu.dma_semaphore, #tpu.memory_space<semaphore_mem>>) src(%arg6 : memref<256x2048xf32, #tpu.memory_space<vmem>>) dst(%dma_wait3A_404 : memref<256x2048xf32, #tpu.memory_space<any>>)
    %dma_wait3A_405 = arith.constant 3 : i32
    %dma_wait3A_406 = arith.constant 1024 : i32
    %dma_wait3A_407 = arith.constant 0 : i32
    %dma_wait3A_408 = tpu.memref_slice %arg1[%dma_wait3A_405, %dma_wait3A_406, %dma_wait3A_407] : memref<4x3072x2048xf32, #tpu.memory_space<any>> -> memref<1x256x2048xf32, #tpu.memory_space<any>>
    %dma_wait3A_409 = tpu.memref_squeeze %dma_wait3A_408 : memref<1x256x2048xf32, #tpu.memory_space<any>> -> memref<256x2048xf32, #tpu.memory_space<any>>
    tpu.wait_dma2 semaphore(%arg30 : memref<!tpu.dma_semaphore, #tpu.memory_space<semaphore_mem>>) src(%arg6 : memref<256x2048xf32, #tpu.memory_space<vmem>>) dst(%dma_wait3A_409 : memref<256x2048xf32, #tpu.memory_space<any>>)
    %dma_wait3A_410 = arith.constant 0 : i32
    %dma_wait3A_411 = arith.constant 1280 : i32
    %dma_wait3A_412 = arith.constant 0 : i32
    %dma_wait3A_413 = tpu.memref_slice %arg1[%dma_wait3A_410, %dma_wait3A_411, %dma_wait3A_412] : memref<4x3072x2048xf32, #tpu.memory_space<any>> -> memref<1x256x2048xf32, #tpu.memory_space<any>>
    %dma_wait3A_414 = tpu.memref_squeeze %dma_wait3A_413 : memref<1x256x2048xf32, #tpu.memory_space<any>> -> memref<256x2048xf32, #tpu.memory_space<any>>
    tpu.wait_dma2 semaphore(%arg31 : memref<!tpu.dma_semaphore, #tpu.memory_space<semaphore_mem>>) src(%arg7 : memref<256x2048xf32, #tpu.memory_space<vmem>>) dst(%dma_wait3A_414 : memref<256x2048xf32, #tpu.memory_space<any>>)
    %dma_wait3A_415 = arith.constant 1 : i32
    %dma_wait3A_416 = arith.constant 1280 : i32
    %dma_wait3A_417 = arith.constant 0 : i32
    %dma_wait3A_418 = tpu.memref_slice %arg1[%dma_wait3A_415, %dma_wait3A_416, %dma_wait3A_417] : memref<4x3072x2048xf32, #tpu.memory_space<any>> -> memref<1x256x2048xf32, #tpu.memory_space<any>>
    %dma_wait3A_419 = tpu.memref_squeeze %dma_wait3A_418 : memref<1x256x2048xf32, #tpu.memory_space<any>> -> memref<256x2048xf32, #tpu.memory_space<any>>
    tpu.wait_dma2 semaphore(%arg31 : memref<!tpu.dma_semaphore, #tpu.memory_space<semaphore_mem>>) src(%arg7 : memref<256x2048xf32, #tpu.memory_space<vmem>>) dst(%dma_wait3A_419 : memref<256x2048xf32, #tpu.memory_space<any>>)
    %dma_wait3A_420 = arith.constant 2 : i32
    %dma_wait3A_421 = arith.constant 1280 : i32
    %dma_wait3A_422 = arith.constant 0 : i32
    %dma_wait3A_423 = tpu.memref_slice %arg1[%dma_wait3A_420, %dma_wait3A_421, %dma_wait3A_422] : memref<4x3072x2048xf32, #tpu.memory_space<any>> -> memref<1x256x2048xf32, #tpu.memory_space<any>>
    %dma_wait3A_424 = tpu.memref_squeeze %dma_wait3A_423 : memref<1x256x2048xf32, #tpu.memory_space<any>> -> memref<256x2048xf32, #tpu.memory_space<any>>
    tpu.wait_dma2 semaphore(%arg31 : memref<!tpu.dma_semaphore, #tpu.memory_space<semaphore_mem>>) src(%arg7 : memref<256x2048xf32, #tpu.memory_space<vmem>>) dst(%dma_wait3A_424 : memref<256x2048xf32, #tpu.memory_space<any>>)
    %dma_wait3A_425 = arith.constant 3 : i32
    %dma_wait3A_426 = arith.constant 1280 : i32
    %dma_wait3A_427 = arith.constant 0 : i32
    %dma_wait3A_428 = tpu.memref_slice %arg1[%dma_wait3A_425, %dma_wait3A_426, %dma_wait3A_427] : memref<4x3072x2048xf32, #tpu.memory_space<any>> -> memref<1x256x2048xf32, #tpu.memory_space<any>>
    %dma_wait3A_429 = tpu.memref_squeeze %dma_wait3A_428 : memref<1x256x2048xf32, #tpu.memory_space<any>> -> memref<256x2048xf32, #tpu.memory_space<any>>
    tpu.wait_dma2 semaphore(%arg31 : memref<!tpu.dma_semaphore, #tpu.memory_space<semaphore_mem>>) src(%arg7 : memref<256x2048xf32, #tpu.memory_space<vmem>>) dst(%dma_wait3A_429 : memref<256x2048xf32, #tpu.memory_space<any>>)
    %dma_wait3A_430 = arith.constant 0 : i32
    %dma_wait3A_431 = arith.constant 1536 : i32
    %dma_wait3A_432 = arith.constant 0 : i32
    %dma_wait3A_433 = tpu.memref_slice %arg1[%dma_wait3A_430, %dma_wait3A_431, %dma_wait3A_432] : memref<4x3072x2048xf32, #tpu.memory_space<any>> -> memref<1x256x2048xf32, #tpu.memory_space<any>>
    %dma_wait3A_434 = tpu.memref_squeeze %dma_wait3A_433 : memref<1x256x2048xf32, #tpu.memory_space<any>> -> memref<256x2048xf32, #tpu.memory_space<any>>
    tpu.wait_dma2 semaphore(%arg32 : memref<!tpu.dma_semaphore, #tpu.memory_space<semaphore_mem>>) src(%arg8 : memref<256x2048xf32, #tpu.memory_space<vmem>>) dst(%dma_wait3A_434 : memref<256x2048xf32, #tpu.memory_space<any>>)
    %dma_wait3A_435 = arith.constant 1 : i32
    %dma_wait3A_436 = arith.constant 1536 : i32
    %dma_wait3A_437 = arith.constant 0 : i32
    %dma_wait3A_438 = tpu.memref_slice %arg1[%dma_wait3A_435, %dma_wait3A_436, %dma_wait3A_437] : memref<4x3072x2048xf32, #tpu.memory_space<any>> -> memref<1x256x2048xf32, #tpu.memory_space<any>>
    %dma_wait3A_439 = tpu.memref_squeeze %dma_wait3A_438 : memref<1x256x2048xf32, #tpu.memory_space<any>> -> memref<256x2048xf32, #tpu.memory_space<any>>
    tpu.wait_dma2 semaphore(%arg32 : memref<!tpu.dma_semaphore, #tpu.memory_space<semaphore_mem>>) src(%arg8 : memref<256x2048xf32, #tpu.memory_space<vmem>>) dst(%dma_wait3A_439 : memref<256x2048xf32, #tpu.memory_space<any>>)
    %dma_wait3A_440 = arith.constant 2 : i32
    %dma_wait3A_441 = arith.constant 1536 : i32
    %dma_wait3A_442 = arith.constant 0 : i32
    %dma_wait3A_443 = tpu.memref_slice %arg1[%dma_wait3A_440, %dma_wait3A_441, %dma_wait3A_442] : memref<4x3072x2048xf32, #tpu.memory_space<any>> -> memref<1x256x2048xf32, #tpu.memory_space<any>>
    %dma_wait3A_444 = tpu.memref_squeeze %dma_wait3A_443 : memref<1x256x2048xf32, #tpu.memory_space<any>> -> memref<256x2048xf32, #tpu.memory_space<any>>
    tpu.wait_dma2 semaphore(%arg32 : memref<!tpu.dma_semaphore, #tpu.memory_space<semaphore_mem>>) src(%arg8 : memref<256x2048xf32, #tpu.memory_space<vmem>>) dst(%dma_wait3A_444 : memref<256x2048xf32, #tpu.memory_space<any>>)
    %dma_wait3A_445 = arith.constant 3 : i32
    %dma_wait3A_446 = arith.constant 1536 : i32
    %dma_wait3A_447 = arith.constant 0 : i32
    %dma_wait3A_448 = tpu.memref_slice %arg1[%dma_wait3A_445, %dma_wait3A_446, %dma_wait3A_447] : memref<4x3072x2048xf32, #tpu.memory_space<any>> -> memref<1x256x2048xf32, #tpu.memory_space<any>>
    %dma_wait3A_449 = tpu.memref_squeeze %dma_wait3A_448 : memref<1x256x2048xf32, #tpu.memory_space<any>> -> memref<256x2048xf32, #tpu.memory_space<any>>
    tpu.wait_dma2 semaphore(%arg32 : memref<!tpu.dma_semaphore, #tpu.memory_space<semaphore_mem>>) src(%arg8 : memref<256x2048xf32, #tpu.memory_space<vmem>>) dst(%dma_wait3A_449 : memref<256x2048xf32, #tpu.memory_space<any>>)
    %dma_wait3A_450 = arith.constant 0 : i32
    %dma_wait3A_451 = arith.constant 1792 : i32
    %dma_wait3A_452 = arith.constant 0 : i32
    %dma_wait3A_453 = tpu.memref_slice %arg1[%dma_wait3A_450, %dma_wait3A_451, %dma_wait3A_452] : memref<4x3072x2048xf32, #tpu.memory_space<any>> -> memref<1x256x2048xf32, #tpu.memory_space<any>>
    %dma_wait3A_454 = tpu.memref_squeeze %dma_wait3A_453 : memref<1x256x2048xf32, #tpu.memory_space<any>> -> memref<256x2048xf32, #tpu.memory_space<any>>
    tpu.wait_dma2 semaphore(%arg33 : memref<!tpu.dma_semaphore, #tpu.memory_space<semaphore_mem>>) src(%arg9 : memref<256x2048xf32, #tpu.memory_space<vmem>>) dst(%dma_wait3A_454 : memref<256x2048xf32, #tpu.memory_space<any>>)
    %dma_wait3A_455 = arith.constant 1 : i32
    %dma_wait3A_456 = arith.constant 1792 : i32
    %dma_wait3A_457 = arith.constant 0 : i32
    %dma_wait3A_458 = tpu.memref_slice %arg1[%dma_wait3A_455, %dma_wait3A_456, %dma_wait3A_457] : memref<4x3072x2048xf32, #tpu.memory_space<any>> -> memref<1x256x2048xf32, #tpu.memory_space<any>>
    %dma_wait3A_459 = tpu.memref_squeeze %dma_wait3A_458 : memref<1x256x2048xf32, #tpu.memory_space<any>> -> memref<256x2048xf32, #tpu.memory_space<any>>
    tpu.wait_dma2 semaphore(%arg33 : memref<!tpu.dma_semaphore, #tpu.memory_space<semaphore_mem>>) src(%arg9 : memref<256x2048xf32, #tpu.memory_space<vmem>>) dst(%dma_wait3A_459 : memref<256x2048xf32, #tpu.memory_space<any>>)
    %dma_wait3A_460 = arith.constant 2 : i32
    %dma_wait3A_461 = arith.constant 1792 : i32
    %dma_wait3A_462 = arith.constant 0 : i32
    %dma_wait3A_463 = tpu.memref_slice %arg1[%dma_wait3A_460, %dma_wait3A_461, %dma_wait3A_462] : memref<4x3072x2048xf32, #tpu.memory_space<any>> -> memref<1x256x2048xf32, #tpu.memory_space<any>>
    %dma_wait3A_464 = tpu.memref_squeeze %dma_wait3A_463 : memref<1x256x2048xf32, #tpu.memory_space<any>> -> memref<256x2048xf32, #tpu.memory_space<any>>
    tpu.wait_dma2 semaphore(%arg33 : memref<!tpu.dma_semaphore, #tpu.memory_space<semaphore_mem>>) src(%arg9 : memref<256x2048xf32, #tpu.memory_space<vmem>>) dst(%dma_wait3A_464 : memref<256x2048xf32, #tpu.memory_space<any>>)
    %dma_wait3A_465 = arith.constant 3 : i32
    %dma_wait3A_466 = arith.constant 1792 : i32
    %dma_wait3A_467 = arith.constant 0 : i32
    %dma_wait3A_468 = tpu.memref_slice %arg1[%dma_wait3A_465, %dma_wait3A_466, %dma_wait3A_467] : memref<4x3072x2048xf32, #tpu.memory_space<any>> -> memref<1x256x2048xf32, #tpu.memory_space<any>>
    %dma_wait3A_469 = tpu.memref_squeeze %dma_wait3A_468 : memref<1x256x2048xf32, #tpu.memory_space<any>> -> memref<256x2048xf32, #tpu.memory_space<any>>
    tpu.wait_dma2 semaphore(%arg33 : memref<!tpu.dma_semaphore, #tpu.memory_space<semaphore_mem>>) src(%arg9 : memref<256x2048xf32, #tpu.memory_space<vmem>>) dst(%dma_wait3A_469 : memref<256x2048xf32, #tpu.memory_space<any>>)
    %dma_wait3A_470 = arith.constant 0 : i32
    %dma_wait3A_471 = arith.constant 2048 : i32
    %dma_wait3A_472 = arith.constant 0 : i32
    %dma_wait3A_473 = tpu.memref_slice %arg1[%dma_wait3A_470, %dma_wait3A_471, %dma_wait3A_472] : memref<4x3072x2048xf32, #tpu.memory_space<any>> -> memref<1x256x2048xf32, #tpu.memory_space<any>>
    %dma_wait3A_474 = tpu.memref_squeeze %dma_wait3A_473 : memref<1x256x2048xf32, #tpu.memory_space<any>> -> memref<256x2048xf32, #tpu.memory_space<any>>
    tpu.wait_dma2 semaphore(%arg34 : memref<!tpu.dma_semaphore, #tpu.memory_space<semaphore_mem>>) src(%arg10 : memref<256x2048xf32, #tpu.memory_space<vmem>>) dst(%dma_wait3A_474 : memref<256x2048xf32, #tpu.memory_space<any>>)
    %dma_wait3A_475 = arith.constant 1 : i32
    %dma_wait3A_476 = arith.constant 2048 : i32
    %dma_wait3A_477 = arith.constant 0 : i32
    %dma_wait3A_478 = tpu.memref_slice %arg1[%dma_wait3A_475, %dma_wait3A_476, %dma_wait3A_477] : memref<4x3072x2048xf32, #tpu.memory_space<any>> -> memref<1x256x2048xf32, #tpu.memory_space<any>>
    %dma_wait3A_479 = tpu.memref_squeeze %dma_wait3A_478 : memref<1x256x2048xf32, #tpu.memory_space<any>> -> memref<256x2048xf32, #tpu.memory_space<any>>
    tpu.wait_dma2 semaphore(%arg34 : memref<!tpu.dma_semaphore, #tpu.memory_space<semaphore_mem>>) src(%arg10 : memref<256x2048xf32, #tpu.memory_space<vmem>>) dst(%dma_wait3A_479 : memref<256x2048xf32, #tpu.memory_space<any>>)
    %dma_wait3A_480 = arith.constant 2 : i32
    %dma_wait3A_481 = arith.constant 2048 : i32
    %dma_wait3A_482 = arith.constant 0 : i32
    %dma_wait3A_483 = tpu.memref_slice %arg1[%dma_wait3A_480, %dma_wait3A_481, %dma_wait3A_482] : memref<4x3072x2048xf32, #tpu.memory_space<any>> -> memref<1x256x2048xf32, #tpu.memory_space<any>>
    %dma_wait3A_484 = tpu.memref_squeeze %dma_wait3A_483 : memref<1x256x2048xf32, #tpu.memory_space<any>> -> memref<256x2048xf32, #tpu.memory_space<any>>
    tpu.wait_dma2 semaphore(%arg34 : memref<!tpu.dma_semaphore, #tpu.memory_space<semaphore_mem>>) src(%arg10 : memref<256x2048xf32, #tpu.memory_space<vmem>>) dst(%dma_wait3A_484 : memref<256x2048xf32, #tpu.memory_space<any>>)
    %dma_wait3A_485 = arith.constant 3 : i32
    %dma_wait3A_486 = arith.constant 2048 : i32
    %dma_wait3A_487 = arith.constant 0 : i32
    %dma_wait3A_488 = tpu.memref_slice %arg1[%dma_wait3A_485, %dma_wait3A_486, %dma_wait3A_487] : memref<4x3072x2048xf32, #tpu.memory_space<any>> -> memref<1x256x2048xf32, #tpu.memory_space<any>>
    %dma_wait3A_489 = tpu.memref_squeeze %dma_wait3A_488 : memref<1x256x2048xf32, #tpu.memory_space<any>> -> memref<256x2048xf32, #tpu.memory_space<any>>
    tpu.wait_dma2 semaphore(%arg34 : memref<!tpu.dma_semaphore, #tpu.memory_space<semaphore_mem>>) src(%arg10 : memref<256x2048xf32, #tpu.memory_space<vmem>>) dst(%dma_wait3A_489 : memref<256x2048xf32, #tpu.memory_space<any>>)
    %dma_wait3A_490 = arith.constant 0 : i32
    %dma_wait3A_491 = arith.constant 2304 : i32
    %dma_wait3A_492 = arith.constant 0 : i32
    %dma_wait3A_493 = tpu.memref_slice %arg1[%dma_wait3A_490, %dma_wait3A_491, %dma_wait3A_492] : memref<4x3072x2048xf32, #tpu.memory_space<any>> -> memref<1x256x2048xf32, #tpu.memory_space<any>>
    %dma_wait3A_494 = tpu.memref_squeeze %dma_wait3A_493 : memref<1x256x2048xf32, #tpu.memory_space<any>> -> memref<256x2048xf32, #tpu.memory_space<any>>
    tpu.wait_dma2 semaphore(%arg35 : memref<!tpu.dma_semaphore, #tpu.memory_space<semaphore_mem>>) src(%arg11 : memref<256x2048xf32, #tpu.memory_space<vmem>>) dst(%dma_wait3A_494 : memref<256x2048xf32, #tpu.memory_space<any>>)
    %dma_wait3A_495 = arith.constant 1 : i32
    %dma_wait3A_496 = arith.constant 2304 : i32
    %dma_wait3A_497 = arith.constant 0 : i32
    %dma_wait3A_498 = tpu.memref_slice %arg1[%dma_wait3A_495, %dma_wait3A_496, %dma_wait3A_497] : memref<4x3072x2048xf32, #tpu.memory_space<any>> -> memref<1x256x2048xf32, #tpu.memory_space<any>>
    %dma_wait3A_499 = tpu.memref_squeeze %dma_wait3A_498 : memref<1x256x2048xf32, #tpu.memory_space<any>> -> memref<256x2048xf32, #tpu.memory_space<any>>
    tpu.wait_dma2 semaphore(%arg35 : memref<!tpu.dma_semaphore, #tpu.memory_space<semaphore_mem>>) src(%arg11 : memref<256x2048xf32, #tpu.memory_space<vmem>>) dst(%dma_wait3A_499 : memref<256x2048xf32, #tpu.memory_space<any>>)
    %dma_wait3A_500 = arith.constant 2 : i32
    %dma_wait3A_501 = arith.constant 2304 : i32
    %dma_wait3A_502 = arith.constant 0 : i32
    %dma_wait3A_503 = tpu.memref_slice %arg1[%dma_wait3A_500, %dma_wait3A_501, %dma_wait3A_502] : memref<4x3072x2048xf32, #tpu.memory_space<any>> -> memref<1x256x2048xf32, #tpu.memory_space<any>>
    %dma_wait3A_504 = tpu.memref_squeeze %dma_wait3A_503 : memref<1x256x2048xf32, #tpu.memory_space<any>> -> memref<256x2048xf32, #tpu.memory_space<any>>
    tpu.wait_dma2 semaphore(%arg35 : memref<!tpu.dma_semaphore, #tpu.memory_space<semaphore_mem>>) src(%arg11 : memref<256x2048xf32, #tpu.memory_space<vmem>>) dst(%dma_wait3A_504 : memref<256x2048xf32, #tpu.memory_space<any>>)
    %dma_wait3A_505 = arith.constant 3 : i32
    %dma_wait3A_506 = arith.constant 2304 : i32
    %dma_wait3A_507 = arith.constant 0 : i32
    %dma_wait3A_508 = tpu.memref_slice %arg1[%dma_wait3A_505, %dma_wait3A_506, %dma_wait3A_507] : memref<4x3072x2048xf32, #tpu.memory_space<any>> -> memref<1x256x2048xf32, #tpu.memory_space<any>>
    %dma_wait3A_509 = tpu.memref_squeeze %dma_wait3A_508 : memref<1x256x2048xf32, #tpu.memory_space<any>> -> memref<256x2048xf32, #tpu.memory_space<any>>
    tpu.wait_dma2 semaphore(%arg35 : memref<!tpu.dma_semaphore, #tpu.memory_space<semaphore_mem>>) src(%arg11 : memref<256x2048xf32, #tpu.memory_space<vmem>>) dst(%dma_wait3A_509 : memref<256x2048xf32, #tpu.memory_space<any>>)
    %dma_wait3A_510 = arith.constant 0 : i32
    %dma_wait3A_511 = arith.constant 2560 : i32
    %dma_wait3A_512 = arith.constant 0 : i32
    %dma_wait3A_513 = tpu.memref_slice %arg1[%dma_wait3A_510, %dma_wait3A_511, %dma_wait3A_512] : memref<4x3072x2048xf32, #tpu.memory_space<any>> -> memref<1x256x2048xf32, #tpu.memory_space<any>>
    %dma_wait3A_514 = tpu.memref_squeeze %dma_wait3A_513 : memref<1x256x2048xf32, #tpu.memory_space<any>> -> memref<256x2048xf32, #tpu.memory_space<any>>
    tpu.wait_dma2 semaphore(%arg36 : memref<!tpu.dma_semaphore, #tpu.memory_space<semaphore_mem>>) src(%arg12 : memref<256x2048xf32, #tpu.memory_space<vmem>>) dst(%dma_wait3A_514 : memref<256x2048xf32, #tpu.memory_space<any>>)
    %dma_wait3A_515 = arith.constant 1 : i32
    %dma_wait3A_516 = arith.constant 2560 : i32
    %dma_wait3A_517 = arith.constant 0 : i32
    %dma_wait3A_518 = tpu.memref_slice %arg1[%dma_wait3A_515, %dma_wait3A_516, %dma_wait3A_517] : memref<4x3072x2048xf32, #tpu.memory_space<any>> -> memref<1x256x2048xf32, #tpu.memory_space<any>>
    %dma_wait3A_519 = tpu.memref_squeeze %dma_wait3A_518 : memref<1x256x2048xf32, #tpu.memory_space<any>> -> memref<256x2048xf32, #tpu.memory_space<any>>
    tpu.wait_dma2 semaphore(%arg36 : memref<!tpu.dma_semaphore, #tpu.memory_space<semaphore_mem>>) src(%arg12 : memref<256x2048xf32, #tpu.memory_space<vmem>>) dst(%dma_wait3A_519 : memref<256x2048xf32, #tpu.memory_space<any>>)
    %dma_wait3A_520 = arith.constant 2 : i32
    %dma_wait3A_521 = arith.constant 2560 : i32
    %dma_wait3A_522 = arith.constant 0 : i32
    %dma_wait3A_523 = tpu.memref_slice %arg1[%dma_wait3A_520, %dma_wait3A_521, %dma_wait3A_522] : memref<4x3072x2048xf32, #tpu.memory_space<any>> -> memref<1x256x2048xf32, #tpu.memory_space<any>>
    %dma_wait3A_524 = tpu.memref_squeeze %dma_wait3A_523 : memref<1x256x2048xf32, #tpu.memory_space<any>> -> memref<256x2048xf32, #tpu.memory_space<any>>
    tpu.wait_dma2 semaphore(%arg36 : memref<!tpu.dma_semaphore, #tpu.memory_space<semaphore_mem>>) src(%arg12 : memref<256x2048xf32, #tpu.memory_space<vmem>>) dst(%dma_wait3A_524 : memref<256x2048xf32, #tpu.memory_space<any>>)
    %dma_wait3A_525 = arith.constant 3 : i32
    %dma_wait3A_526 = arith.constant 2560 : i32
    %dma_wait3A_527 = arith.constant 0 : i32
    %dma_wait3A_528 = tpu.memref_slice %arg1[%dma_wait3A_525, %dma_wait3A_526, %dma_wait3A_527] : memref<4x3072x2048xf32, #tpu.memory_space<any>> -> memref<1x256x2048xf32, #tpu.memory_space<any>>
    %dma_wait3A_529 = tpu.memref_squeeze %dma_wait3A_528 : memref<1x256x2048xf32, #tpu.memory_space<any>> -> memref<256x2048xf32, #tpu.memory_space<any>>
    tpu.wait_dma2 semaphore(%arg36 : memref<!tpu.dma_semaphore, #tpu.memory_space<semaphore_mem>>) src(%arg12 : memref<256x2048xf32, #tpu.memory_space<vmem>>) dst(%dma_wait3A_529 : memref<256x2048xf32, #tpu.memory_space<any>>)
    %dma_wait3A_530 = arith.constant 0 : i32
    %dma_wait3A_531 = arith.constant 2816 : i32
    %dma_wait3A_532 = arith.constant 0 : i32
    %dma_wait3A_533 = tpu.memref_slice %arg1[%dma_wait3A_530, %dma_wait3A_531, %dma_wait3A_532] : memref<4x3072x2048xf32, #tpu.memory_space<any>> -> memref<1x256x2048xf32, #tpu.memory_space<any>>
    %dma_wait3A_534 = tpu.memref_squeeze %dma_wait3A_533 : memref<1x256x2048xf32, #tpu.memory_space<any>> -> memref<256x2048xf32, #tpu.memory_space<any>>
    tpu.wait_dma2 semaphore(%arg37 : memref<!tpu.dma_semaphore, #tpu.memory_space<semaphore_mem>>) src(%arg13 : memref<256x2048xf32, #tpu.memory_space<vmem>>) dst(%dma_wait3A_534 : memref<256x2048xf32, #tpu.memory_space<any>>)
    %dma_wait3A_535 = arith.constant 1 : i32
    %dma_wait3A_536 = arith.constant 2816 : i32
    %dma_wait3A_537 = arith.constant 0 : i32
    %dma_wait3A_538 = tpu.memref_slice %arg1[%dma_wait3A_535, %dma_wait3A_536, %dma_wait3A_537] : memref<4x3072x2048xf32, #tpu.memory_space<any>> -> memref<1x256x2048xf32, #tpu.memory_space<any>>
    %dma_wait3A_539 = tpu.memref_squeeze %dma_wait3A_538 : memref<1x256x2048xf32, #tpu.memory_space<any>> -> memref<256x2048xf32, #tpu.memory_space<any>>
    tpu.wait_dma2 semaphore(%arg37 : memref<!tpu.dma_semaphore, #tpu.memory_space<semaphore_mem>>) src(%arg13 : memref<256x2048xf32, #tpu.memory_space<vmem>>) dst(%dma_wait3A_539 : memref<256x2048xf32, #tpu.memory_space<any>>)
    %dma_wait3A_540 = arith.constant 2 : i32
    %dma_wait3A_541 = arith.constant 2816 : i32
    %dma_wait3A_542 = arith.constant 0 : i32
    %dma_wait3A_543 = tpu.memref_slice %arg1[%dma_wait3A_540, %dma_wait3A_541, %dma_wait3A_542] : memref<4x3072x2048xf32, #tpu.memory_space<any>> -> memref<1x256x2048xf32, #tpu.memory_space<any>>
    %dma_wait3A_544 = tpu.memref_squeeze %dma_wait3A_543 : memref<1x256x2048xf32, #tpu.memory_space<any>> -> memref<256x2048xf32, #tpu.memory_space<any>>
    tpu.wait_dma2 semaphore(%arg37 : memref<!tpu.dma_semaphore, #tpu.memory_space<semaphore_mem>>) src(%arg13 : memref<256x2048xf32, #tpu.memory_space<vmem>>) dst(%dma_wait3A_544 : memref<256x2048xf32, #tpu.memory_space<any>>)
    %dma_wait3A_545 = arith.constant 3 : i32
    %dma_wait3A_546 = arith.constant 2816 : i32
    %dma_wait3A_547 = arith.constant 0 : i32
    %dma_wait3A_548 = tpu.memref_slice %arg1[%dma_wait3A_545, %dma_wait3A_546, %dma_wait3A_547] : memref<4x3072x2048xf32, #tpu.memory_space<any>> -> memref<1x256x2048xf32, #tpu.memory_space<any>>
    %dma_wait3A_549 = tpu.memref_squeeze %dma_wait3A_548 : memref<1x256x2048xf32, #tpu.memory_space<any>> -> memref<256x2048xf32, #tpu.memory_space<any>>
    tpu.wait_dma2 semaphore(%arg37 : memref<!tpu.dma_semaphore, #tpu.memory_space<semaphore_mem>>) src(%arg13 : memref<256x2048xf32, #tpu.memory_space<vmem>>) dst(%dma_wait3A_549 : memref<256x2048xf32, #tpu.memory_space<any>>)
    return
  }
}

</mosaic_0001>

<sc_bundles>
// kernel: kernel.4.cloned.1.call-start
scs
__scs_entry_jumppad:
0x0: {  	(pc) =	sbr.rel $0x88, $3  }
0x1: {  	(tag) =	ssettag $0x0;
	lr =	simm.s32 $0x1  }
0x2: {  	[smem:$0x3FA0] =	sst lr;
	_ =	strace $0xD0000000  }
0x3: {  	_ = 	snop  }
0x4: {  	_ = 	snop  }
0x5: {  	_ = 	snop  }
0x6: {  	_ = 	snop  }
0x7: {  	_ = 	snop  }
__scs_overlays_trampoline_lowered:
0x8: {  	[smem:$0x3FAF] =	sst s0  }
0x9: {  	[smem:$0x3FB0] =	sst s1  }
0xa: {  	[smem:$0x3FB1] =	sst s2  }
0xb: {  	[smem:$0x3FB2] =	sst s3  }
0xc: {  	[smem:$0x3FB3] =	sst s4  }
0xd: {  	[smem:$0x3FB4] =	sst s5  }
0xe: {  	[smem:$0x3FB5] =	sst s6  }
0xf: {  	[smem:$0x3FB6] =	sst s7  }
0x10: {  	[smem:$0x3FB7] =	sst s8  }
0x11: {  	[smem:$0x3FB8] =	sst s9;
	s0 =	simm.s32 @!p0 $0x0  }
0x12: {  	s1 =	sld [smem:$0x3F9E];
	s0 =	simm.s32 @p0 $0x1  }
0x13: {  	[smem:$0x3FB9] =	sst s0;
	s0 =	simm.s32 @!p1 $0x0  }
0x14: {  	s2 =	sld [smem:$0x3F9D];
	s0 =	simm.s32 @p1 $0x1  }
0x15: {  	[smem:$0x3FBA] =	sst s0;
	s0 =	simm.s32 @!p2 $0x0  }
0x16: {  	s3 =	sld [smem:$0x3FDB];
	s0 =	simm.s32 @p2 $0x1  }
0x17: {  	s4 =	simm.s32 $0x1BF5;
	[smem:$0x3FBC] =	sst s0  }
0x18: {  	s0 =	sld [smem:$0x3F9F];
	_ =	swait.ge [sflag:s4], $0x0  }
0x19: {  	s7 =	sld [smem:$0x3FA0]  }
0x1a: {  	s8 =	sadd.s32 $0xFFFFE003, lr  }
0x1b: {  	s9 =	sadd.s32 $0xFFFFFEF7, lr;
	s5 =	simm.s32 $0xFFFFFFFF;
	p2 =	slt.u32 s8, $0xFFFFF086  }
0x1c: {  	p1 =	slt.u32 s9, $0xF7A;
	s5 =	simm.s32 @!p2 $0x0  }
0x1d: {  	s5 =	simm.s32 @p1 $0x1;
	p0 =	seq.s32 s7, s2  }
0x1e: {  	s7 =	smul.u32 @!p0 $0xF7A, s2;
	p2 =	seq.s32 @!p0 s5, $0x0  }
0x1f: {  	s9 =	smul.u32 $0xF7A, s1;
	s8 =	simm.s32 @!p0 $0x1BF5;
	p2 =	por !p2, p0  }
0x20: {  	[sflag:s8] =	ssyncset.s32 @!p0 $0xFFFFF086;
	s6 =	sadd.s32 @!p0 s3, s7;
	s7 =	simm.s32 @!p0 $0x108  }
0x21: {  	s3 =	sadd.s32 s3, s9;
	s6 =	sadd.s32 @!p0 $0x88, s6;
	s7 =	simm.s32 @p2 $0x1082  }
0x22: {  	[simem:s7], [sflag:s8] =	dma.local @!p0 [hbm:s6], $0xF7A  }
0x23: {  	s9 =	sor.u32 $0xD0000000, s2;
	s6 =	simm.s32 $0x108;
	_ =	swait.ge @!p0 [sflag:s8], $0x0  }
0x24: {  	s3 =	sadd.s32 $0x88, s3;
	s6 =	simm.s32 @!p1 $0x1082;
	[sflag:s4] =	ssyncset.s32 $0xFFFFF086  }
0x25: {  	[simem:s6], [sflag:s4] =	dma.local [hbm:s3], $0xF7A  }
0x26: {  	[smem:$0x3FA0] =	sst s1;
	(tag) =	ssettag s2;
	_ =	strace s9  }
0x27: {  	s1 =	sld [smem:$0x3FB0]  }
0x28: {  	s2 =	sld [smem:$0x3FB1]  }
0x29: {  	s4 =	sld [smem:$0x3FB3]  }
0x2a: {  	p0 =	seq.s32 s5, $0x0;
	s5 =	sld [smem:$0x3FB4]  }
0x2b: {  	s6 =	sld [smem:$0x3FB5]  }
0x2c: {  	s7 =	sld [smem:$0x3FB6]  }
0x2d: {  	s3 =	simm.s32 $0x108;
	s8 =	sld [smem:$0x3FB7]  }
0x2e: {  	s3 =	simm.s32 @!p0 $0x1082;
	s9 =	sld [smem:$0x3FB8]  }
0x2f: {  	lr =	sadd.s32 s0, s3;
	s0 =	sld [smem:$0x3FAF]  }
0x30: {  	s3 =	sld [smem:$0x3FB2]  }
0x31: {  	[smem:$0x3FBB] =	sst s10  }
0x32: {  	s10 =	sld [smem:$0x3FB9];
	_ =	sdelay $0x3  }
0x33: {  	p0 =	seq.s32 s10, $0x1;
	s10 =	sld [smem:$0x3FBB];
	_ =	sdelay $0x3  }
0x34: {  	[smem:$0x3FBB] =	sst s10  }
0x35: {  	s10 =	sld [smem:$0x3FBA];
	_ =	sdelay $0x3  }
0x36: {  	p1 =	seq.s32 s10, $0x1;
	s10 =	sld [smem:$0x3FBB];
	_ =	sdelay $0x3  }
0x37: {  	[smem:$0x3FBB] =	sst s10  }
0x38: {  	s10 =	sld [smem:$0x3FBC]  }
0x39: {  	_ = 	snop;
	(pc) =	sbr.ind lr, $3  }
0x3a: {  	_ = 	snop  }
0x3b: {  	_ = 	snop  }
0x3c: {  	p2 =	seq.s32 s10, $0x1;
	s10 =	sld [smem:$0x3FBB]  }
0x3d: {  	_ =	shalt  }
0x3e: {  	_ =	shalt  }
0x3f: {  	_ =	shalt  }
0x40: {  	_ =	shalt  }
0x41: {  	_ =	shalt  }
0x42: {  	_ =	shalt  }
0x43: {  	_ =	shalt  }
0x44: {  	_ =	shalt  }
0x45: {  	_ =	shalt  }
0x46: {  	_ =	shalt  }
0x47: {  	_ =	shalt  }
0x48: {  	_ =	shalt  }
0x49: {  	_ =	shalt  }
0x4a: {  	_ =	shalt  }
0x4b: {  	_ =	shalt  }
0x4c: {  	_ =	shalt  }
0x4d: {  	_ =	shalt  }
0x4e: {  	_ =	shalt  }
0x4f: {  	_ =	shalt  }
0x50: {  	_ =	shalt  }
0x51: {  	_ =	shalt  }
0x52: {  	_ =	shalt  }
0x53: {  	_ =	shalt  }
0x54: {  	_ =	shalt  }
0x55: {  	_ =	shalt  }
0x56: {  	_ =	shalt  }
0x57: {  	_ =	shalt  }
0x58: {  	_ =	shalt  }
0x59: {  	_ =	shalt  }
0x5a: {  	_ =	shalt  }
0x5b: {  	_ =	shalt  }
0x5c: {  	_ =	shalt  }
0x5d: {  	_ =	shalt  }
0x5e: {  	_ =	shalt  }
0x5f: {  	_ =	shalt  }
0x60: {  	_ =	shalt  }
0x61: {  	_ =	shalt  }
0x62: {  	_ =	shalt  }
0x63: {  	_ =	shalt  }
0x64: {  	_ =	shalt  }
0x65: {  	_ =	shalt  }
0x66: {  	_ =	shalt  }
0x67: {  	_ =	shalt  }
0x68: {  	_ =	shalt  }
0x69: {  	_ =	shalt  }
0x6a: {  	_ =	shalt  }
0x6b: {  	_ =	shalt  }
0x6c: {  	_ =	shalt  }
0x6d: {  	_ =	shalt  }
0x6e: {  	_ =	shalt  }
0x6f: {  	_ =	shalt  }
0x70: {  	_ =	shalt  }
0x71: {  	_ =	shalt  }
0x72: {  	_ =	shalt  }
0x73: {  	_ =	shalt  }
0x74: {  	_ =	shalt  }
0x75: {  	_ =	shalt  }
0x76: {  	_ =	shalt  }
0x77: {  	_ =	shalt  }
0x78: {  	_ =	shalt  }
0x79: {  	_ =	shalt  }
0x7a: {  	_ =	shalt  }
0x7b: {  	_ =	shalt  }
0x7c: {  	_ =	shalt  }
0x7d: {  	_ =	shalt  }
0x7e: {  	_ =	shalt  }
0x7f: {  	_ =	shalt  }
0x80: {  	_ =	shalt  }
0x81: {  	_ =	shalt  }
0x82: {  	_ =	shalt  }
0x83: {  	_ =	shalt  }
0x84: {  	_ =	shalt  }
0x85: {  	_ =	shalt  }
0x86: {  	_ =	shalt  }
0x87: {  	_ =	shalt  }
.Lfunc_end0:
.L_simem_size_0:
called_computation_lowered:
.L_overlay_start_0:
0x88: {  	s2 =	sld [smem:$0x3FD9]  }
0x89: {  	s3 =	sld [smem:$0x3FFE];
	_ =	sdelay $0x1  }
0x8a: {  	s1 =	srdreg.scid  }
0x8b: {  	s0 =	sand.u32 $0x1, s1  }
0x8c: {  	s17 =	sshll.u32 s0, $0xA;
	s2 =	sadd.s32 s3, s2  }
0x8d: {  	s2 =	sadd.s32 s2, s17  }
0x8e: {  	[smem:$0x3FC7] =	sst s2  }
0x8f: {  	_ = 	snop  }
0x90: {  	s2 =	sld [smem:$0x3FC9];
	(tm) =	ssettm $0x1  }
0x91: {  	s18 =	sld [smem:$0x3FFB];
	_ =	sdelay $0x3  }
0x92: {  	_ =	strace s18  }
0x93: {  	s3 =	sld [smem:$0x3FFC];
	_ =	sdelay $0x3  }
0x94: {  	_ =	strace s3  }
0x95: {  	s3 =	sld [smem:$0x3FFD];
	_ =	sdelay $0x3  }
0x96: {  	_ =	strace s3  }
0x97: {  	_ =	strace $0x8FFFFFFF  }
0x98: {  	s19 =	sld [smem:$0x3FDB];
	_ =	sdelay $0x1  }
0x99: {  	s4 =	simm.s32 $_scs_section_size  }
0x9a: {  	s5 =	simm.s32 $_size__tile_overlayer_lowered;
	s6 =	simm.s32 $_tile_overlayer_lowered  }
0x9b: {  	s22 =	simm.s32 $0x1BFF;
	s21 =	sshll.u32 s6, $0x1;
	s3 =	sadd.s32 s4, s19  }
0x9c: {  	s7 =	simm.s32 $0x0;
	s20 =	sshll.u32 s5, $0x1;
	s5 =	sadd.s32 s21, s3  }
0x9d: {  	[timem:s7], [sflag:s22] =	dma.local [hbm:s5], s20  }
0x9e: {  	_ =	swait.ge [sflag:s22], s20  }
0x9f: {  	s4 =	ssub.s32 $0x0, s20;
	[sflag:s22] =	ssyncset.done $0x0  }
0xa0: {  	[sflag:s22] =	ssyncadd.s32 s4;
	_ =	sdelay $0x1  }
0xa1: {  	s23 =	simm.s32 $0x1B8B  }
0xa2: {  	_ =	swait.ge [sflag:s23], $0x1  }
0xa3: {  	[sflag:s23] =	ssyncset.done $0x0  }
0xa4: {  	s25 =	simm.s32 $0x1B8E;
	s24 =	sld [smem:$0x3FFE];
	[sflag:s23] =	ssyncadd.s32 $0xFFFFFFFF  }
0xa5: {  	s26 =	simm.s32 $execute0_lowered;
	[smem:$0x3FD2] =	sst s25  }
0xa6: {  	s5 =	sshll.u32 s26, $0x1;
	_ =	strace $0x80000046;
	[dreg:$0x1] =	wrdreg $0xFFFFFFFF  }
0xa7: {  	s28 =	simm.s32 $_size_execute0_lowered;
	s3 =	sadd.s32 s3, s5;
	[dreg:$0x0] =	wrdreg $0x0  }
0xa8: {  	s5 =	sshll.u32 s28, $0x1;
	[dreg:$0x2] =	wrdreg s3  }
0xa9: {  	[dreg:$0x3] =	wrdreg s5  }
0xaa: {  	[dreg:$0x4] =	wrdreg $0xC0  }
0xab: {  	_ =	task [dreg:s7], $0x5FFFF  }
0xac: {  	[dreg:$0x1] =	wrdreg $0xFFFFFFFF  }
0xad: {  	[dreg:$0x0] =	wrdreg $0x60  }
0xae: {  	[dreg:$0x2] =	wrdreg s2  }
0xaf: {  	[dreg:$0x3] =	wrdreg s24  }
0xb0: {  	[dreg:$0x4] =	wrdreg $0x9  }
0xb1: {  	_ =	task.clear_ibuf [dreg:s7], $0x5FFFF;
	_ =	strace $0x90000046  }
0xb2: {  	s29 =	simm.s32 $0x9;
	_ =	strace $0x80000048  }
0xb3: {  	_ =	swait.ge [sflag:s29], $0x1  }
0xb4: {  	[sflag:s29] =	ssyncadd.s32 $0xFFFFFFFF  }
0xb5: {  	_ =	strace $0x90000048  }
0xb6: {  	_ =	sfence  }
0xb7: {  	s30 =	sld [smem:$0x0];
	_ =	sdelay $0x2  }
0xb8: {  	s31 =	sshll.u32 s1, $0xD;
	s1 =	sshrl.u32 s1, $0x2  }
0xb9: {  	s3 =	sand.u32 $0x4000, s31;
	s1 =	sadd.s32 s1, s30  }
0xba: {  	s0 =	sor.u32 s3, s0;
	s1 =	sshll.u32 s1, $0x11  }
0xbb: {  	s0 =	sor.u32 s1, s0  }
0xbc: {  	s0 =	sadd.s32 $0x8F2B, s0  }
0xbd: {  	[sflag:s0] =	ssyncadd.remote.s32 $0x1  }
0xbe: {  	_ =	sfence.sel $0xFFFF  }
0xbf: {  	[dreg:$0x0] =	wrdreg $0xFFFFFFFF;
	(pc) =	sbr.abs _section_cstart, $3  }
0xc0: {  	[dreg:$0x1] =	wrdreg $0xFFFFFFFF  }
0xc1: {  	_ =	task.clear_ibuf [dreg:s7], $0x2FFFF;
	_ =	strace $0x9FFFFFFF  }
0xc2: {  	(tm) =	ssettm $0x7FFFFFFF  }
0xc3: {  	_ =	shalt  }
tec
execute0_lowered:
.L_overlay_start_1:
0x0: {  	(tag) =	ssettag $0x1  }
0x1: {  	s1 =	srdreg.scid  }
0x2: {  	s5 =	rddreg [dreg:$0x0];
	s0 =	stileid.u32;
	s17 =	sand.u32 $0x1, s1  }
0x3: {  	s6 =	rddreg [dreg:$0x1];
	s3 =	sshll.u32 s0, $0xE;
	s4 =	sshll.u32 s17, $0xD  }
0x4: {  	s2 =	simm.s32 $0x0;
	s1 =	rddreg [dreg:$0x2];
	s7 =	sor.u32 s4, s3  }
0x5: {  	[smem:$0x7FF] =	sst s2;
	s10 =	sor.u32 $0xC0000, s7  }
0x6: {  	_ =	strace $0x80000047;
	s4 =	simm.s32 $0x1;
	s3 =	sadd.s32 s5, s10  }
0x7: {  	[tilespmem:s2], [sflag:$0x1] =	stream.linear.gather [hbm4b:s3+s2], $0x8000, $0x38;
	[tilespmem:$0x10000] =	vst v63  }
0x8: {  	_ =	swait.ge [sflag:s4], $0x8000  }
0x9: {  	s16 =	sadd.s32 $0x400, s6;
	s18 =	sor.u32 $0xC1000, s7;
	[sflag:s4] =	ssyncset.done $0x0  }
0xa: {  	s6 =	simm.s32 $0x8000;
	s5 =	sadd.s32 s5, s18;
	[sflag:s4] =	ssyncadd.s32 $0xFFFF8000  }
0xb: {  	[tilespmem:s6], [sflag:$0x2] =	stream.linear.gather [hbm4b:s5+s2], $0x8000, $0x38;
	[tilespmem:$0x10000] =	vst v63  }
0xc: {  	s7 =	sadd.s32 s16, s7  }
0xd: {  	[hbm4b:s7+s2] =	stream.linear.scatter [tilespmem:s2], [sflag:$0x3], $0x8000, $0x38;
	[tilespmem:$0x10000] =	vst v63  }
0xe: {  	s8 =	sadd.s32 $0x40000, s7  }
0xf: {  	[hbm4b:s8+s2] =	stream.linear.scatter [tilespmem:s2], [sflag:$0x3], $0x8000, $0x38;
	[tilespmem:$0x10000] =	vst v63  }
0x10: {  	s9 =	sadd.s32 $0x80000, s7  }
0x11: {  	[hbm4b:s9+s2] =	stream.linear.scatter [tilespmem:s2], [sflag:$0x3], $0x8000, $0x38;
	[tilespmem:$0x10000] =	vst v63  }
0x12: {  	s11 =	sadd.s32 s16, s10;
	s10 =	simm.s32 $0x3  }
0x13: {  	[hbm4b:s11+s2] =	stream.linear.scatter [tilespmem:s2], [sflag:$0x3], $0x8000, $0x38;
	[tilespmem:$0x10000] =	vst v63  }
0x14: {  	_ =	swait.ge [sflag:s10], $0x8000  }
0x15: {  	[sflag:s10] =	ssyncset.done $0x0  }
0x16: {  	[sflag:s10] =	ssyncadd.s32 $0xFFFF8000  }
0x17: {  	_ =	swait.ge [sflag:s10], $0x8000  }
0x18: {  	[sflag:s10] =	ssyncset.done $0x0  }
0x19: {  	[sflag:s10] =	ssyncadd.s32 $0xFFFF8000  }
0x1a: {  	_ =	swait.ge [sflag:s10], $0x8000  }
0x1b: {  	[sflag:s10] =	ssyncset.done $0x0  }
0x1c: {  	[sflag:s10] =	ssyncadd.s32 $0xFFFF8000  }
0x1d: {  	_ =	swait.ge [sflag:s10], $0x8000  }
0x1e: {  	[sflag:s10] =	ssyncset.done $0x0  }
0x1f: {  	s12 =	simm.s32 $0x2;
	[sflag:s10] =	ssyncadd.s32 $0xFFFF8000  }
0x20: {  	_ =	swait.ge [sflag:s12], $0x8000  }
0x21: {  	[sflag:s12] =	ssyncset.done $0x0  }
0x22: {  	s13 =	sadd.s32 $0x1000, s7;
	[sflag:s12] =	ssyncadd.s32 $0xFFFF8000  }
0x23: {  	[hbm4b:s13+s2] =	stream.linear.scatter [tilespmem:s6], [sflag:$0x3], $0x8000, $0x38;
	[tilespmem:$0x10000] =	vst v63  }
0x24: {  	s14 =	sadd.s32 $0x41000, s7  }
0x25: {  	[hbm4b:s14+s2] =	stream.linear.scatter [tilespmem:s6], [sflag:$0x3], $0x8000, $0x38;
	[tilespmem:$0x10000] =	vst v63  }
0x26: {  	s15 =	sadd.s32 $0x81000, s7  }
0x27: {  	[hbm4b:s15+s2] =	stream.linear.scatter [tilespmem:s6], [sflag:$0x3], $0x8000, $0x38;
	[tilespmem:$0x10000] =	vst v63  }
0x28: {  	s16 =	sadd.s32 s16, s18  }
0x29: {  	[hbm4b:s16+s2] =	stream.linear.scatter [tilespmem:s6], [sflag:$0x3], $0x8000, $0x38;
	[tilespmem:$0x10000] =	vst v63  }
0x2a: {  	_ =	swait.ge [sflag:s10], $0x8000  }
0x2b: {  	s17 =	ssub.s32 $0x2, s17;
	[sflag:s10] =	ssyncset.done $0x0  }
0x2c: {  	s31 =	sshrl.u32 s17, $0x1;
	[sflag:s10] =	ssyncadd.s32 $0xFFFF8000  }
0x2d: {  	s17 =	ssub.s32 s17, s31;
	_ =	swait.ge [sflag:s10], $0x8000  }
0x2e: {  	s17 =	smax.u32 s17, $0x1;
	[sflag:s10] =	ssyncset.done $0x0  }
0x2f: {  	p0 =	sne.s32 s17, $0x1;
	[sflag:s10] =	ssyncadd.s32 $0xFFFF8000  }
.Ltmp0:
0x30: {  	_ =	swait.ge [sflag:s10], $0x8000;
	(pc) =	sbr.rel @!p0 .LBB2_2-.Ltmp0, $4  }
0x31: {  	[sflag:s10] =	ssyncset.done $0x0  }
0x32: {  	[sflag:s10] =	ssyncadd.s32 $0xFFFF8000  }
0x33: {  	_ =	swait.ge [sflag:s10], $0x8000  }
0x34: {  	s17 =	sadd.s32 $0xFFFFFFFF, s17;
	[sflag:s10] =	ssyncset.done $0x0  }
.LBB2_1:
0x35: {  	p0 =	sne.s32 s17, $0x1;
	s17 =	sadd.s32 $0xFFFFFFFF, s17;
	[sflag:s10] =	ssyncadd.s32 $0xFFFF8000  }
0x36: {  	[tilespmem:s2], [sflag:$0x1] =	stream.linear.gather [hbm4b:s3+s2], $0x8000, $0x38;
	[tilespmem:$0x10000] =	vst v63  }
0x37: {  	_ =	swait.ge [sflag:s4], $0x8000  }
0x38: {  	[sflag:s4] =	ssyncset.done $0x0  }
0x39: {  	[sflag:s4] =	ssyncadd.s32 $0xFFFF8000  }
0x3a: {  	[tilespmem:s6], [sflag:$0x2] =	stream.linear.gather [hbm4b:s5+s2], $0x8000, $0x38;
	[tilespmem:$0x10000] =	vst v63  }
0x3b: {  	_ = 	snop  }
0x3c: {  	[hbm4b:s7+s2] =	stream.linear.scatter [tilespmem:s2], [sflag:$0x3], $0x8000, $0x38;
	[tilespmem:$0x10000] =	vst v63  }
0x3d: {  	_ = 	snop  }
0x3e: {  	[hbm4b:s8+s2] =	stream.linear.scatter [tilespmem:s2], [sflag:$0x3], $0x8000, $0x38;
	[tilespmem:$0x10000] =	vst v63  }
0x3f: {  	_ = 	snop  }
0x40: {  	[hbm4b:s9+s2] =	stream.linear.scatter [tilespmem:s2], [sflag:$0x3], $0x8000, $0x38;
	[tilespmem:$0x10000] =	vst v63  }
0x41: {  	_ = 	snop  }
0x42: {  	[hbm4b:s11+s2] =	stream.linear.scatter [tilespmem:s2], [sflag:$0x3], $0x8000, $0x38;
	[tilespmem:$0x10000] =	vst v63  }
0x43: {  	_ =	swait.ge [sflag:s10], $0x8000  }
0x44: {  	[sflag:s10] =	ssyncset.done $0x0  }
0x45: {  	[sflag:s10] =	ssyncadd.s32 $0xFFFF8000  }
0x46: {  	_ =	swait.ge [sflag:s10], $0x8000  }
0x47: {  	[sflag:s10] =	ssyncset.done $0x0  }
0x48: {  	[sflag:s10] =	ssyncadd.s32 $0xFFFF8000  }
0x49: {  	_ =	swait.ge [sflag:s10], $0x8000  }
0x4a: {  	[sflag:s10] =	ssyncset.done $0x0  }
0x4b: {  	[sflag:s10] =	ssyncadd.s32 $0xFFFF8000  }
0x4c: {  	_ =	swait.ge [sflag:s10], $0x8000  }
0x4d: {  	[sflag:s10] =	ssyncset.done $0x0  }
0x4e: {  	[sflag:s10] =	ssyncadd.s32 $0xFFFF8000  }
0x4f: {  	_ =	swait.ge [sflag:s12], $0x8000  }
0x50: {  	[sflag:s12] =	ssyncset.done $0x0  }
0x51: {  	[sflag:s12] =	ssyncadd.s32 $0xFFFF8000  }
0x52: {  	[hbm4b:s13+s2] =	stream.linear.scatter [tilespmem:s6], [sflag:$0x3], $0x8000, $0x38;
	[tilespmem:$0x10000] =	vst v63  }
0x53: {  	_ = 	snop  }
0x54: {  	[hbm4b:s14+s2] =	stream.linear.scatter [tilespmem:s6], [sflag:$0x3], $0x8000, $0x38;
	[tilespmem:$0x10000] =	vst v63  }
0x55: {  	_ = 	snop  }
0x56: {  	[hbm4b:s15+s2] =	stream.linear.scatter [tilespmem:s6], [sflag:$0x3], $0x8000, $0x38;
	[tilespmem:$0x10000] =	vst v63  }
0x57: {  	_ = 	snop  }
0x58: {  	[hbm4b:s16+s2] =	stream.linear.scatter [tilespmem:s6], [sflag:$0x3], $0x8000, $0x38;
	[tilespmem:$0x10000] =	vst v63  }
0x59: {  	_ =	swait.ge [sflag:s10], $0x8000  }
0x5a: {  	[sflag:s10] =	ssyncset.done $0x0  }
0x5b: {  	[sflag:s10] =	ssyncadd.s32 $0xFFFF8000  }
0x5c: {  	_ =	swait.ge [sflag:s10], $0x8000  }
0x5d: {  	[sflag:s10] =	ssyncset.done $0x0  }
0x5e: {  	[sflag:s10] =	ssyncadd.s32 $0xFFFF8000  }
.Ltmp1:
0x5f: {  	_ =	swait.ge [sflag:s10], $0x8000;
	(pc) =	sbr.rel @p0 .LBB2_1-.Ltmp1, $4  }
0x60: {  	[sflag:s10] =	ssyncset.done $0x0  }
0x61: {  	[sflag:s10] =	ssyncadd.s32 $0xFFFF8000  }
0x62: {  	_ =	swait.ge [sflag:s10], $0x8000  }
0x63: {  	[sflag:s10] =	ssyncset.done $0x0  }
.LBB2_2:
0x64: {  	[sflag:s10] =	ssyncadd.s32 $0xFFFF8000  }
0x65: {  	_ =	sfence.sel $0x180000  }
0x66: {  	[bflag:$0x0] =	sbarrier.arrive $0xFFFF  }
0x67: {  	p0 =	sne.s32 s0, $0x0;
	_ =	strace $0x90000047  }
0x68: {  	s0 =	sadd.s32 @!p0 $0x100000, s1;
	[bflag:$0x2] =	sbarrier.arrive $0xFFFF  }
0x69: {  	[sflag:s0] =	ssyncadd.tile.s32 @!p0 $0x1;
	_ =	shalt  }
.Lfunc_end2:
_tile_overlayer_lowered:
.L_overlay_start_2:
0x6a: {  	(tag) =	ssettag $0x2  }
0x6b: {  	s0 =	rddreg [dreg:$0x0];
	s2 =	stileid.u32  }
0x6c: {  	s1 =	rddreg [dreg:$0x1];
	p0 =	sne.s32 s2, $0x0  }
0x6d: {  	s3 =	rddreg [dreg:$0x2];
	[bflag:$0x3] =	sbarrier.arrive $0xFFFF;
	s2 =	simm.s32 @!p0 $0x1C04  }
0x6e: {  	[timem:s3], [sflag:s2] =	dma.local @!p0 [hbm:s0], s1  }
0x6f: {  	s0 =	simm.s32 @!p0 $0x4  }
0x70: {  	_ =	swait.ge @!p0 [sflag:s0], s1  }
0x71: {  	s1 =	ssub.s32 @!p0 $0x0, s1;
	[sflag:s0] =	ssyncset.done @!p0 $0x0  }
0x72: {  	[sflag:s0] =	ssyncadd.s32 @!p0 s1  }
0x73: {  	[bflag:$0x3] =	sbarrier.arrive $0xFFFF  }
0x74: {  	_ =	shalt  }

</sc_bundles>
